<compile_context>
chip_gen: v7x
topology: tpu7x:2x2x1
jax: 0.10.2.dev20260603
libtpu: 0.0.44.dev20260713+nightly
codegen_flags: <defaults>
</compile_context>

<pallas_src>
import jax
import jax.numpy as jnp
from jax import lax
from jax.experimental import pallas as pl
from jax.experimental.pallas import tpu as pltpu
from jax.experimental.pallas import tpu_sc as plsc

SEQ = 2048
B = 16
H = 512
NG = 16
NS = 8


def _make_kernel():
    mesh = plsc.VectorSubcoreMesh(core_axis_name="c", subcore_axis_name="s")

    def body(h_hbm, c_hbm, masks_hbm, op_hbm, ih_hbm, ic_hbm,
             out_h, out_c,
             stripe_v, midx_v, acc_v, comb_v, op_v, idx_v, rows_v,
             shared, sem):
        cid = lax.axis_index("c")
        sid = lax.axis_index("s")
        lane = lax.iota(jnp.int32, 16)

        midx_v[...] = lane * NG + sid
        pltpu.async_copy(masks_hbm.at[midx_v], stripe_v, sem).wait()

        def acc_body(i, accs):
            return tuple(
                accs[s] + stripe_v[i, pl.ds(s * B, B)] for s in range(NS)
            )
        accs = lax.fori_loop(
            0, 16, acc_body,
            tuple(jnp.zeros((B,), jnp.float32) for _ in range(NS)),
        )
        for s in range(NS):
            acc_v[pl.ds(s * B, B)] = accs[s]
        pltpu.sync_copy(acc_v, shared.at[sid])
        plsc.subcore_barrier()

        @pl.when(sid == 0)
        def _():
            pltpu.sync_copy(shared, comb_v)
            pltpu.sync_copy(op_hbm, op_v)

            def comb_body(j, vs):
                return tuple(
                    vs[s] + comb_v[j, pl.ds(s * B, B)] for s in range(NS)
                )
            v = lax.fori_loop(
                0, NG, comb_body,
                tuple(jnp.zeros((B,), jnp.float32) for _ in range(NS)),
            )
            b4 = [v[s] + v[s + 4] for s in range(4)]
            c2 = [b4[s] + b4[s + 2] for s in range(2)]
            pos = (c2[0] + c2[1]).astype(jnp.int32)

            opv = op_v[...]
            prev = jnp.where(pos == 0, SEQ, pos - 1)
            sel = jnp.where(opv != 0, prev, pos)

            def finish(table, init_ref, out_ref):
                idx_v[...] = jnp.maximum(sel - 1, 0) * B + lane
                pltpu.async_copy(table.at[idx_v], rows_v, sem).wait()

                def patch_body(b, carry):
                    selb = sel.at[(lane + b) & (B - 1)].get(
                        mode="promise_in_bounds")

                    @pl.when(selb[0] == 0)
                    def _():
                        pltpu.sync_copy(init_ref, rows_v.at[b])
                    return carry
                lax.fori_loop(0, B, patch_body, 0)

                pltpu.sync_copy(rows_v, out_ref)

            @pl.when(cid == 0)
            def _():
                finish(h_hbm, ih_hbm, out_h)

            @pl.when(cid == 1)
            def _():
                finish(c_hbm, ic_hbm, out_c)

    return pl.kernel(
        body,
        mesh=mesh,
        out_type=(
            jax.ShapeDtypeStruct((B, H), jnp.float32),
            jax.ShapeDtypeStruct((B, H), jnp.float32),
        ),
        scratch_types=[
            pltpu.VMEM((16, NS * B), jnp.float32),
            pltpu.VMEM((B,), jnp.int32),
            pltpu.VMEM((NS * B,), jnp.float32),
            pltpu.VMEM((NG, NS * B), jnp.float32),
            pltpu.VMEM((B,), jnp.int32),
            pltpu.VMEM((B,), jnp.int32),
            pltpu.VMEM((B, H), jnp.float32),
            pltpu.MemorySpace.VMEM_SHARED((NG, NS * B), jnp.float32),
            pltpu.SemaphoreType.DMA,
        ],
    )


_sc_kernel = _make_kernel()


def kernel(hiddens, cells, hidden_masks, op, init_hidden, init_cell):
    h2 = hiddens.reshape(SEQ * B, H)
    c2 = cells.reshape(SEQ * B, H)
    m2 = hidden_masks.reshape(SEQ * B // 128, 128)
    return _sc_kernel(h2, c2, m2, op, init_hidden, init_cell)

# --- scband reference (transcript-rebuilt; emitter-appended) ---
"""Pipeline reference for scband-lstmstate-buffer-cell-39376260169764 (READ-ONLY COPY).

The authoritative reference and input builder live on the scoring server;
editing this copy changes nothing except your own understanding.
"""

import jax, jax.numpy as jnp
import numpy as np

SEQ_LEN = 2048
BATCH = 16
HIDDEN = 512


def setup_inputs(seed: int = 0) -> dict:
    key = jax.random.key(seed)
    k1, k2, k3, k4, k5, k6 = jax.random.split(key, 6)
    hiddens = jax.random.normal(k1, (SEQ_LEN, BATCH, HIDDEN), dtype=jnp.float32)
    cells = jax.random.normal(k2, (SEQ_LEN, BATCH, HIDDEN), dtype=jnp.float32)
    hidden_masks = jax.random.uniform(k3, (SEQ_LEN, BATCH), dtype=jnp.float32)
    # op in {0, 1}; forward uses abs(op) so {0,1} is equivalent to {0,-1} semantics
    op = jax.random.randint(k4, (BATCH,), 0, 2, dtype=jnp.int32)
    init_hidden = jax.random.uniform(k5, (HIDDEN,), dtype=jnp.float32)
    init_cell = jax.random.uniform(k6, (HIDDEN,), dtype=jnp.float32)
    return {
        "hiddens": hiddens,
        "cells": cells,
        "hidden_masks": hidden_masks,
        "op": op,
        "init_hidden": init_hidden,
        "init_cell": init_cell,
    }


def reference(hiddens, cells, hidden_masks, op, init_hidden, init_cell):
    seq_len, batch, hidden_size = hiddens.shape
    # build_stack: stacks of shape (seq_len+1, batch, hidden)
    h0 = jnp.broadcast_to(init_hidden[None, None, :], (1, batch, hidden_size))
    c0 = jnp.broadcast_to(init_cell[None, None, :], (1, batch, hidden_size))
    hidden_stack = jnp.concatenate([h0, hiddens], axis=0)
    cell_stack = jnp.concatenate([c0, cells], axis=0)
    pos = jnp.sum(hidden_masks, axis=0).astype(jnp.int32)
    b_idx = jnp.arange(batch)
    prev_pos = jnp.mod(pos - 1, seq_len + 1)
    # gathers: stack[pos[b], b, :]
    cur_hidden = hidden_stack[pos, b_idx, :]
    cur_cell = cell_stack[pos, b_idx, :]
    prev_hidden = hidden_stack[prev_pos, b_idx, :]
    prev_cell = cell_stack[prev_pos, b_idx, :]
    a = jnp.abs(op).astype(jnp.float32)
    # faithful to torch: mm with diag matrices, then transpose back
    hidden_ret = jnp.matmul(prev_hidden.T, jnp.diag(a)) + jnp.matmul(cur_hidden.T, jnp.diag(1.0 - a))
    cell_ret = jnp.matmul(prev_cell.T, jnp.diag(a)) + jnp.matmul(cur_cell.T, jnp.diag(1.0 - a))
    return (hidden_ret.T, cell_ret.T)

if __name__ == "__main__":
    import jax
    _d = setup_inputs()
    print(jax.jit(kernel)(*tuple(_d.values())))

</pallas_src>

<mosaic_0001>
#map = affine_map<(d0, d1) -> (0, 0)>
#map1 = affine_map<(d0, d1) -> (0)>
module attributes {stable_mosaic.version = 14 : i64} {
  func.func @body(%arg0: i32, %arg1: i32, %arg2: memref<32768x512xf32, #tpu.memory_space<hbm>>, %arg3: memref<32768x512xf32, #tpu.memory_space<hbm>>, %arg4: memref<256x128xf32, #tpu.memory_space<hbm>>, %arg5: memref<16xi32, #tpu.memory_space<hbm>>, %arg6: memref<512xf32, #tpu.memory_space<hbm>>, %arg7: memref<512xf32, #tpu.memory_space<hbm>>, %arg8: memref<16x512xf32, #tpu.memory_space<hbm>>, %arg9: memref<16x512xf32, #tpu.memory_space<hbm>>, %arg10: memref<16x128xf32, #tpu.memory_space<vmem>>, %arg11: memref<16xi32, #tpu.memory_space<vmem>>, %arg12: memref<128xf32, #tpu.memory_space<vmem>>, %arg13: memref<16x128xf32, #tpu.memory_space<vmem>>, %arg14: memref<16xi32, #tpu.memory_space<vmem>>, %arg15: memref<16xi32, #tpu.memory_space<vmem>>, %arg16: memref<16x512xf32, #tpu.memory_space<vmem>>, %arg17: memref<16x128xf32, #tpu.memory_space<vmem_shared>>, %arg18: memref<!tpu.dma_semaphore, #tpu.memory_space<semaphore_mem>>) attributes {dimension_semantics = [#tpu.dimension_semantics<core_parallel>, #tpu.dimension_semantics<subcore_parallel>], iteration_bounds = array<i64: 2, 16>, scalar_prefetch = 0 : i64, scratch_operands = 9 : i64, tpu.core_type = #tpu.core_type<sc_vector_subcore>, window_params = [{transform_indices = #map}, {transform_indices = #map}, {transform_indices = #map}, {transform_indices = #map1}, {transform_indices = #map1}, {transform_indices = #map1}, {transform_indices = #map}, {transform_indices = #map}]} {
    %iota3A = tpu.iota {dimensions = array<i32: 0>} : vector<16xi32>
    %mul3A = arith.constant 16 : i32
    %mul3A_0 = vector.broadcast %mul3A : i32 to vector<16xi32>
    %mul3A_1 = arith.muli %iota3A, %mul3A_0 : vector<16xi32>
    %add3A = vector.broadcast %arg1 : i32 to vector<16xi32>
    %add3A_2 = arith.addi %mul3A_1, %add3A : vector<16xi32>
    %swap3A = arith.constant 0 : index
    %swap3A_3 = tpu.vector_load %arg11[%swap3A] {strides = array<i32>} : memref<16xi32, #tpu.memory_space<vmem>>, vector<16xi32>,
    %swap3A_4 = vector.shape_cast %swap3A_3 : vector<16xi32> to vector<16xi32>
    %swap3A_5 = vector.shape_cast %add3A_2 : vector<16xi32> to vector<16xi32>
    tpu.vector_store %arg11[%swap3A], %swap3A_5 {strides = array<i32>} : memref<16xi32, #tpu.memory_space<vmem>>, vector<16xi32>,
    %dma_start3A = arith.constant 0 : i32
    %dma_start3A_6 = arith.constant 0 : i32
    %dma_start3A_7 = tpu.memref_slice %arg4[%dma_start3A, %dma_start3A_6] : memref<256x128xf32, #tpu.memory_space<hbm>> -> memref<256x128xf32, #tpu.memory_space<hbm>>
    tpu.enqueue_indirect_dma source(%dma_start3A_7 : memref<256x128xf32, #tpu.memory_space<hbm>>) target(%arg10 : memref<16x128xf32, #tpu.memory_space<vmem>>) offsets(%arg11 : memref<16xi32, #tpu.memory_space<vmem>>) semaphore(%arg18 : memref<!tpu.dma_semaphore, #tpu.memory_space<semaphore_mem>>)
    %dma_wait3A = arith.constant 0 : i32
    %dma_wait3A_8 = arith.constant 0 : i32
    %dma_wait3A_9 = tpu.memref_slice %arg4[%dma_wait3A, %dma_wait3A_8] : memref<256x128xf32, #tpu.memory_space<hbm>> -> memref<256x128xf32, #tpu.memory_space<hbm>>
    tpu.wait_indirect_dma semaphore(%arg18 : memref<!tpu.dma_semaphore, #tpu.memory_space<semaphore_mem>>) src(%dma_wait3A_9 : memref<256x128xf32, #tpu.memory_space<hbm>>) dst(%arg10 : memref<16x128xf32, #tpu.memory_space<vmem>>)
    %broadcast_in_dim3A = arith.constant 0.000000e+00 : f32
    %broadcast_in_dim3A_10 = vector.broadcast %broadcast_in_dim3A : f32 to vector<16xf32>
    %broadcast_in_dim3A_11 = arith.constant 0.000000e+00 : f32
    %broadcast_in_dim3A_12 = vector.broadcast %broadcast_in_dim3A_11 : f32 to vector<16xf32>
    %broadcast_in_dim3A_13 = arith.constant 0.000000e+00 : f32
    %broadcast_in_dim3A_14 = vector.broadcast %broadcast_in_dim3A_13 : f32 to vector<16xf32>
    %broadcast_in_dim3A_15 = arith.constant 0.000000e+00 : f32
    %broadcast_in_dim3A_16 = vector.broadcast %broadcast_in_dim3A_15 : f32 to vector<16xf32>
    %broadcast_in_dim3A_17 = arith.constant 0.000000e+00 : f32
    %broadcast_in_dim3A_18 = vector.broadcast %broadcast_in_dim3A_17 : f32 to vector<16xf32>
    %broadcast_in_dim3A_19 = arith.constant 0.000000e+00 : f32
    %broadcast_in_dim3A_20 = vector.broadcast %broadcast_in_dim3A_19 : f32 to vector<16xf32>
    %broadcast_in_dim3A_21 = arith.constant 0.000000e+00 : f32
    %broadcast_in_dim3A_22 = vector.broadcast %broadcast_in_dim3A_21 : f32 to vector<16xf32>
    %broadcast_in_dim3A_23 = arith.constant 0.000000e+00 : f32
    %broadcast_in_dim3A_24 = vector.broadcast %broadcast_in_dim3A_23 : f32 to vector<16xf32>
    %scan3A = arith.constant 0 : i32
    %scan3A_25 = arith.constant 16 : i32
    %scan3A_26 = arith.addi %scan3A, %scan3A_25 : i32
    %scan3A_27 = arith.constant 1 : i32
    %scan3A_28:8 = scf.for %scan3A_64 = %scan3A to %scan3A_26 step %scan3A_27 iter_args(%scan3A_65 = %broadcast_in_dim3A_10, %scan3A_66 = %broadcast_in_dim3A_12, %scan3A_67 = %broadcast_in_dim3A_14, %scan3A_68 = %broadcast_in_dim3A_16, %scan3A_69 = %broadcast_in_dim3A_18, %scan3A_70 = %broadcast_in_dim3A_20, %scan3A_71 = %broadcast_in_dim3A_22, %scan3A_72 = %broadcast_in_dim3A_24) -> (vector<16xf32>, vector<16xf32>, vector<16xf32>, vector<16xf32>, vector<16xf32>, vector<16xf32>, vector<16xf32>, vector<16xf32>)  : i32 {
      %get3A = arith.index_cast %scan3A_64 : i32 to index
      %get3A_73 = arith.constant 0 : index
      %get3A_74 = tpu.vector_load %arg10[%get3A, %get3A_73] {strides = array<i32>} : memref<16x128xf32, #tpu.memory_space<vmem>>, vector<1x16xf32>,
      %get3A_75 = vector.shape_cast %get3A_74 : vector<1x16xf32> to vector<16xf32>
      %add3A_76 = arith.addf %scan3A_65, %get3A_75 : vector<16xf32>
      %get3A_77 = arith.index_cast %scan3A_64 : i32 to index
      %get3A_78 = arith.constant 16 : index
      %get3A_79 = tpu.vector_load %arg10[%get3A_77, %get3A_78] {strides = array<i32>} : memref<16x128xf32, #tpu.memory_space<vmem>>, vector<1x16xf32>,
      %get3A_80 = vector.shape_cast %get3A_79 : vector<1x16xf32> to vector<16xf32>
      %add3A_81 = arith.addf %scan3A_66, %get3A_80 : vector<16xf32>
      %get3A_82 = arith.index_cast %scan3A_64 : i32 to index
      %get3A_83 = arith.constant 32 : index
      %get3A_84 = tpu.vector_load %arg10[%get3A_82, %get3A_83] {strides = array<i32>} : memref<16x128xf32, #tpu.memory_space<vmem>>, vector<1x16xf32>,
      %get3A_85 = vector.shape_cast %get3A_84 : vector<1x16xf32> to vector<16xf32>
      %add3A_86 = arith.addf %scan3A_67, %get3A_85 : vector<16xf32>
      %get3A_87 = arith.index_cast %scan3A_64 : i32 to index
      %get3A_88 = arith.constant 48 : index
      %get3A_89 = tpu.vector_load %arg10[%get3A_87, %get3A_88] {strides = array<i32>} : memref<16x128xf32, #tpu.memory_space<vmem>>, vector<1x16xf32>,
      %get3A_90 = vector.shape_cast %get3A_89 : vector<1x16xf32> to vector<16xf32>
      %add3A_91 = arith.addf %scan3A_68, %get3A_90 : vector<16xf32>
      %get3A_92 = arith.index_cast %scan3A_64 : i32 to index
      %get3A_93 = arith.constant 64 : index
      %get3A_94 = tpu.vector_load %arg10[%get3A_92, %get3A_93] {strides = array<i32>} : memref<16x128xf32, #tpu.memory_space<vmem>>, vector<1x16xf32>,
      %get3A_95 = vector.shape_cast %get3A_94 : vector<1x16xf32> to vector<16xf32>
      %add3A_96 = arith.addf %scan3A_69, %get3A_95 : vector<16xf32>
      %get3A_97 = arith.index_cast %scan3A_64 : i32 to index
      %get3A_98 = arith.constant 80 : index
      %get3A_99 = tpu.vector_load %arg10[%get3A_97, %get3A_98] {strides = array<i32>} : memref<16x128xf32, #tpu.memory_space<vmem>>, vector<1x16xf32>,
      %get3A_100 = vector.shape_cast %get3A_99 : vector<1x16xf32> to vector<16xf32>
      %add3A_101 = arith.addf %scan3A_70, %get3A_100 : vector<16xf32>
      %get3A_102 = arith.index_cast %scan3A_64 : i32 to index
      %get3A_103 = arith.constant 96 : index
      %get3A_104 = tpu.vector_load %arg10[%get3A_102, %get3A_103] {strides = array<i32>} : memref<16x128xf32, #tpu.memory_space<vmem>>, vector<1x16xf32>,
      %get3A_105 = vector.shape_cast %get3A_104 : vector<1x16xf32> to vector<16xf32>
      %add3A_106 = arith.addf %scan3A_71, %get3A_105 : vector<16xf32>
      %get3A_107 = arith.index_cast %scan3A_64 : i32 to index
      %get3A_108 = arith.constant 112 : index
      %get3A_109 = tpu.vector_load %arg10[%get3A_107, %get3A_108] {strides = array<i32>} : memref<16x128xf32, #tpu.memory_space<vmem>>, vector<1x16xf32>,
      %get3A_110 = vector.shape_cast %get3A_109 : vector<1x16xf32> to vector<16xf32>
      %add3A_111 = arith.addf %scan3A_72, %get3A_110 : vector<16xf32>
      scf.yield %add3A_76, %add3A_81, %add3A_86, %add3A_91, %add3A_96, %add3A_101, %add3A_106, %add3A_111 : vector<16xf32>, vector<16xf32>, vector<16xf32>, vector<16xf32>, vector<16xf32>, vector<16xf32>, vector<16xf32>, vector<16xf32>
    }
    %scan3A_29 = arith.constant 16 : i32
    %swap3A_30 = arith.constant 0 : index
    %swap3A_31 = tpu.vector_load %arg12[%swap3A_30] {strides = array<i32>} : memref<128xf32, #tpu.memory_space<vmem>>, vector<16xf32>,
    %swap3A_32 = vector.shape_cast %swap3A_31 : vector<16xf32> to vector<16xf32>
    %swap3A_33 = vector.shape_cast %scan3A_28#0 : vector<16xf32> to vector<16xf32>
    tpu.vector_store %arg12[%swap3A_30], %swap3A_33 {strides = array<i32>} : memref<128xf32, #tpu.memory_space<vmem>>, vector<16xf32>,
    %swap3A_34 = arith.constant 16 : index
    %swap3A_35 = tpu.vector_load %arg12[%swap3A_34] {strides = array<i32>} : memref<128xf32, #tpu.memory_space<vmem>>, vector<16xf32>,
    %swap3A_36 = vector.shape_cast %swap3A_35 : vector<16xf32> to vector<16xf32>
    %swap3A_37 = vector.shape_cast %scan3A_28#1 : vector<16xf32> to vector<16xf32>
    tpu.vector_store %arg12[%swap3A_34], %swap3A_37 {strides = array<i32>} : memref<128xf32, #tpu.memory_space<vmem>>, vector<16xf32>,
    %swap3A_38 = arith.constant 32 : index
    %swap3A_39 = tpu.vector_load %arg12[%swap3A_38] {strides = array<i32>} : memref<128xf32, #tpu.memory_space<vmem>>, vector<16xf32>,
    %swap3A_40 = vector.shape_cast %swap3A_39 : vector<16xf32> to vector<16xf32>
    %swap3A_41 = vector.shape_cast %scan3A_28#2 : vector<16xf32> to vector<16xf32>
    tpu.vector_store %arg12[%swap3A_38], %swap3A_41 {strides = array<i32>} : memref<128xf32, #tpu.memory_space<vmem>>, vector<16xf32>,
    %swap3A_42 = arith.constant 48 : index
    %swap3A_43 = tpu.vector_load %arg12[%swap3A_42] {strides = array<i32>} : memref<128xf32, #tpu.memory_space<vmem>>, vector<16xf32>,
    %swap3A_44 = vector.shape_cast %swap3A_43 : vector<16xf32> to vector<16xf32>
    %swap3A_45 = vector.shape_cast %scan3A_28#3 : vector<16xf32> to vector<16xf32>
    tpu.vector_store %arg12[%swap3A_42], %swap3A_45 {strides = array<i32>} : memref<128xf32, #tpu.memory_space<vmem>>, vector<16xf32>,
    %swap3A_46 = arith.constant 64 : index
    %swap3A_47 = tpu.vector_load %arg12[%swap3A_46] {strides = array<i32>} : memref<128xf32, #tpu.memory_space<vmem>>, vector<16xf32>,
    %swap3A_48 = vector.shape_cast %swap3A_47 : vector<16xf32> to vector<16xf32>
    %swap3A_49 = vector.shape_cast %scan3A_28#4 : vector<16xf32> to vector<16xf32>
    tpu.vector_store %arg12[%swap3A_46], %swap3A_49 {strides = array<i32>} : memref<128xf32, #tpu.memory_space<vmem>>, vector<16xf32>,
    %swap3A_50 = arith.constant 80 : index
    %swap3A_51 = tpu.vector_load %arg12[%swap3A_50] {strides = array<i32>} : memref<128xf32, #tpu.memory_space<vmem>>, vector<16xf32>,
    %swap3A_52 = vector.shape_cast %swap3A_51 : vector<16xf32> to vector<16xf32>
    %swap3A_53 = vector.shape_cast %scan3A_28#5 : vector<16xf32> to vector<16xf32>
    tpu.vector_store %arg12[%swap3A_50], %swap3A_53 {strides = array<i32>} : memref<128xf32, #tpu.memory_space<vmem>>, vector<16xf32>,
    %swap3A_54 = arith.constant 96 : index
    %swap3A_55 = tpu.vector_load %arg12[%swap3A_54] {strides = array<i32>} : memref<128xf32, #tpu.memory_space<vmem>>, vector<16xf32>,
    %swap3A_56 = vector.shape_cast %swap3A_55 : vector<16xf32> to vector<16xf32>
    %swap3A_57 = vector.shape_cast %scan3A_28#6 : vector<16xf32> to vector<16xf32>
    tpu.vector_store %arg12[%swap3A_54], %swap3A_57 {strides = array<i32>} : memref<128xf32, #tpu.memory_space<vmem>>, vector<16xf32>,
    %swap3A_58 = arith.constant 112 : index
    %swap3A_59 = tpu.vector_load %arg12[%swap3A_58] {strides = array<i32>} : memref<128xf32, #tpu.memory_space<vmem>>, vector<16xf32>,
    %swap3A_60 = vector.shape_cast %swap3A_59 : vector<16xf32> to vector<16xf32>
    %swap3A_61 = vector.shape_cast %scan3A_28#7 : vector<16xf32> to vector<16xf32>
    tpu.vector_store %arg12[%swap3A_58], %swap3A_61 {strides = array<i32>} : memref<128xf32, #tpu.memory_space<vmem>>, vector<16xf32>,
    "tpu.region"() ({
      %run_scoped3A = tpu.sem_alloc : memref<!tpu.dma_semaphore, #tpu.memory_space<semaphore_mem>>
      %dma_start3A_64 = arith.constant 0 : i32
      %dma_start3A_65 = tpu.memref_slice %arg17[%arg1, %dma_start3A_64] : memref<16x128xf32, #tpu.memory_space<vmem_shared>> -> memref<1x128xf32, #tpu.memory_space<vmem_shared>>
      %dma_start3A_66 = tpu.memref_squeeze %dma_start3A_65 : memref<1x128xf32, #tpu.memory_space<vmem_shared>> -> memref<128xf32, #tpu.memory_space<vmem_shared>>
      %dma_start3A_67 = arith.constant 0 : i32
      %dma_start3A_68 = tpu.memref_slice %arg17[%arg1, %dma_start3A_67] : memref<16x128xf32, #tpu.memory_space<vmem_shared>> -> memref<1x128xf32, #tpu.memory_space<vmem_shared>>
      %dma_start3A_69 = tpu.memref_squeeze %dma_start3A_68 : memref<1x128xf32, #tpu.memory_space<vmem_shared>> -> memref<128xf32, #tpu.memory_space<vmem_shared>>
      tpu.enqueue_dma source(%arg12 : memref<128xf32, #tpu.memory_space<vmem>>) target(%dma_start3A_69 : memref<128xf32, #tpu.memory_space<vmem_shared>>) target_semaphore(%run_scoped3A : memref<!tpu.dma_semaphore, #tpu.memory_space<semaphore_mem>>)
      %dma_wait3A_70 = arith.constant 0 : i32
      %dma_wait3A_71 = tpu.memref_slice %arg17[%arg1, %dma_wait3A_70] : memref<16x128xf32, #tpu.memory_space<vmem_shared>> -> memref<1x128xf32, #tpu.memory_space<vmem_shared>>
      %dma_wait3A_72 = tpu.memref_squeeze %dma_wait3A_71 : memref<1x128xf32, #tpu.memory_space<vmem_shared>> -> memref<128xf32, #tpu.memory_space<vmem_shared>>
      %dma_wait3A_73 = arith.constant 0 : i32
      %dma_wait3A_74 = tpu.memref_slice %arg17[%arg1, %dma_wait3A_73] : memref<16x128xf32, #tpu.memory_space<vmem_shared>> -> memref<1x128xf32, #tpu.memory_space<vmem_shared>>
      %dma_wait3A_75 = tpu.memref_squeeze %dma_wait3A_74 : memref<1x128xf32, #tpu.memory_space<vmem_shared>> -> memref<128xf32, #tpu.memory_space<vmem_shared>>
      tpu.wait_dma2 semaphore(%run_scoped3A : memref<!tpu.dma_semaphore, #tpu.memory_space<semaphore_mem>>) src(%arg12 : memref<128xf32, #tpu.memory_space<vmem>>) dst(%dma_wait3A_75 : memref<128xf32, #tpu.memory_space<vmem_shared>>)
      tpu.yield
    }) : () -> ()
    %barrier3A = arith.constant 0 : index
    tpu.barrier barrier_id(%barrier3A)
    %eq3A = arith.constant 0 : i32
    %eq3A_62 = arith.cmpi eq, %arg1, %eq3A : i32
    %convert_element_type3A = arith.extui %eq3A_62 : i1 to i32
    %cond3A = arith.constant 0 : i32
    %cond3A_63 = arith.cmpi ne, %convert_element_type3A, %cond3A : i32
    scf.if %cond3A_63 {
      "tpu.region"() ({
        %run_scoped3A = tpu.sem_alloc : memref<!tpu.dma_semaphore, #tpu.memory_space<semaphore_mem>>
        tpu.enqueue_dma source(%arg17 : memref<16x128xf32, #tpu.memory_space<vmem_shared>>) target(%arg13 : memref<16x128xf32, #tpu.memory_space<vmem>>) target_semaphore(%run_scoped3A : memref<!tpu.dma_semaphore, #tpu.memory_space<semaphore_mem>>)
        tpu.wait_dma2 semaphore(%run_scoped3A : memref<!tpu.dma_semaphore, #tpu.memory_space<semaphore_mem>>) src(%arg17 : memref<16x128xf32, #tpu.memory_space<vmem_shared>>) dst(%arg13 : memref<16x128xf32, #tpu.memory_space<vmem>>)
        tpu.yield
      }) : () -> ()
      "tpu.region"() ({
        %run_scoped3A = tpu.sem_alloc : memref<!tpu.dma_semaphore, #tpu.memory_space<semaphore_mem>>
        tpu.enqueue_dma source(%arg5 : memref<16xi32, #tpu.memory_space<hbm>>) target(%arg14 : memref<16xi32, #tpu.memory_space<vmem>>) target_semaphore(%run_scoped3A : memref<!tpu.dma_semaphore, #tpu.memory_space<semaphore_mem>>)
        tpu.wait_dma2 semaphore(%run_scoped3A : memref<!tpu.dma_semaphore, #tpu.memory_space<semaphore_mem>>) src(%arg5 : memref<16xi32, #tpu.memory_space<hbm>>) dst(%arg14 : memref<16xi32, #tpu.memory_space<vmem>>)
        tpu.yield
      }) : () -> ()
      %broadcast_in_dim3A_64 = arith.constant 0.000000e+00 : f32
      %broadcast_in_dim3A_65 = vector.broadcast %broadcast_in_dim3A_64 : f32 to vector<16xf32>
      %broadcast_in_dim3A_66 = arith.constant 0.000000e+00 : f32
      %broadcast_in_dim3A_67 = vector.broadcast %broadcast_in_dim3A_66 : f32 to vector<16xf32>
      %broadcast_in_dim3A_68 = arith.constant 0.000000e+00 : f32
      %broadcast_in_dim3A_69 = vector.broadcast %broadcast_in_dim3A_68 : f32 to vector<16xf32>
      %broadcast_in_dim3A_70 = arith.constant 0.000000e+00 : f32
      %broadcast_in_dim3A_71 = vector.broadcast %broadcast_in_dim3A_70 : f32 to vector<16xf32>
      %broadcast_in_dim3A_72 = arith.constant 0.000000e+00 : f32
      %broadcast_in_dim3A_73 = vector.broadcast %broadcast_in_dim3A_72 : f32 to vector<16xf32>
      %broadcast_in_dim3A_74 = arith.constant 0.000000e+00 : f32
      %broadcast_in_dim3A_75 = vector.broadcast %broadcast_in_dim3A_74 : f32 to vector<16xf32>
      %broadcast_in_dim3A_76 = arith.constant 0.000000e+00 : f32
      %broadcast_in_dim3A_77 = vector.broadcast %broadcast_in_dim3A_76 : f32 to vector<16xf32>
      %broadcast_in_dim3A_78 = arith.constant 0.000000e+00 : f32
      %broadcast_in_dim3A_79 = vector.broadcast %broadcast_in_dim3A_78 : f32 to vector<16xf32>
      %scan3A_80 = arith.constant 0 : i32
      %scan3A_81 = arith.constant 16 : i32
      %scan3A_82 = arith.addi %scan3A_80, %scan3A_81 : i32
      %scan3A_83 = arith.constant 1 : i32
      %scan3A_84:8 = scf.for %scan3A_115 = %scan3A_80 to %scan3A_82 step %scan3A_83 iter_args(%scan3A_116 = %broadcast_in_dim3A_65, %scan3A_117 = %broadcast_in_dim3A_67, %scan3A_118 = %broadcast_in_dim3A_69, %scan3A_119 = %broadcast_in_dim3A_71, %scan3A_120 = %broadcast_in_dim3A_73, %scan3A_121 = %broadcast_in_dim3A_75, %scan3A_122 = %broadcast_in_dim3A_77, %scan3A_123 = %broadcast_in_dim3A_79) -> (vector<16xf32>, vector<16xf32>, vector<16xf32>, vector<16xf32>, vector<16xf32>, vector<16xf32>, vector<16xf32>, vector<16xf32>)  : i32 {
        %get3A_124 = arith.index_cast %scan3A_115 : i32 to index
        %get3A_125 = arith.constant 0 : index
        %get3A_126 = tpu.vector_load %arg13[%get3A_124, %get3A_125] {strides = array<i32>} : memref<16x128xf32, #tpu.memory_space<vmem>>, vector<1x16xf32>,
        %get3A_127 = vector.shape_cast %get3A_126 : vector<1x16xf32> to vector<16xf32>
        %add3A_128 = arith.addf %scan3A_116, %get3A_127 : vector<16xf32>
        %get3A_129 = arith.index_cast %scan3A_115 : i32 to index
        %get3A_130 = arith.constant 16 : index
        %get3A_131 = tpu.vector_load %arg13[%get3A_129, %get3A_130] {strides = array<i32>} : memref<16x128xf32, #tpu.memory_space<vmem>>, vector<1x16xf32>,
        %get3A_132 = vector.shape_cast %get3A_131 : vector<1x16xf32> to vector<16xf32>
        %add3A_133 = arith.addf %scan3A_117, %get3A_132 : vector<16xf32>
        %get3A_134 = arith.index_cast %scan3A_115 : i32 to index
        %get3A_135 = arith.constant 32 : index
        %get3A_136 = tpu.vector_load %arg13[%get3A_134, %get3A_135] {strides = array<i32>} : memref<16x128xf32, #tpu.memory_space<vmem>>, vector<1x16xf32>,
        %get3A_137 = vector.shape_cast %get3A_136 : vector<1x16xf32> to vector<16xf32>
        %add3A_138 = arith.addf %scan3A_118, %get3A_137 : vector<16xf32>
        %get3A_139 = arith.index_cast %scan3A_115 : i32 to index
        %get3A_140 = arith.constant 48 : index
        %get3A_141 = tpu.vector_load %arg13[%get3A_139, %get3A_140] {strides = array<i32>} : memref<16x128xf32, #tpu.memory_space<vmem>>, vector<1x16xf32>,
        %get3A_142 = vector.shape_cast %get3A_141 : vector<1x16xf32> to vector<16xf32>
        %add3A_143 = arith.addf %scan3A_119, %get3A_142 : vector<16xf32>
        %get3A_144 = arith.index_cast %scan3A_115 : i32 to index
        %get3A_145 = arith.constant 64 : index
        %get3A_146 = tpu.vector_load %arg13[%get3A_144, %get3A_145] {strides = array<i32>} : memref<16x128xf32, #tpu.memory_space<vmem>>, vector<1x16xf32>,
        %get3A_147 = vector.shape_cast %get3A_146 : vector<1x16xf32> to vector<16xf32>
        %add3A_148 = arith.addf %scan3A_120, %get3A_147 : vector<16xf32>
        %get3A_149 = arith.index_cast %scan3A_115 : i32 to index
        %get3A_150 = arith.constant 80 : index
        %get3A_151 = tpu.vector_load %arg13[%get3A_149, %get3A_150] {strides = array<i32>} : memref<16x128xf32, #tpu.memory_space<vmem>>, vector<1x16xf32>,
        %get3A_152 = vector.shape_cast %get3A_151 : vector<1x16xf32> to vector<16xf32>
        %add3A_153 = arith.addf %scan3A_121, %get3A_152 : vector<16xf32>
        %get3A_154 = arith.index_cast %scan3A_115 : i32 to index
        %get3A_155 = arith.constant 96 : index
        %get3A_156 = tpu.vector_load %arg13[%get3A_154, %get3A_155] {strides = array<i32>} : memref<16x128xf32, #tpu.memory_space<vmem>>, vector<1x16xf32>,
        %get3A_157 = vector.shape_cast %get3A_156 : vector<1x16xf32> to vector<16xf32>
        %add3A_158 = arith.addf %scan3A_122, %get3A_157 : vector<16xf32>
        %get3A_159 = arith.index_cast %scan3A_115 : i32 to index
        %get3A_160 = arith.constant 112 : index
        %get3A_161 = tpu.vector_load %arg13[%get3A_159, %get3A_160] {strides = array<i32>} : memref<16x128xf32, #tpu.memory_space<vmem>>, vector<1x16xf32>,
        %get3A_162 = vector.shape_cast %get3A_161 : vector<1x16xf32> to vector<16xf32>
        %add3A_163 = arith.addf %scan3A_123, %get3A_162 : vector<16xf32>
        scf.yield %add3A_128, %add3A_133, %add3A_138, %add3A_143, %add3A_148, %add3A_153, %add3A_158, %add3A_163 : vector<16xf32>, vector<16xf32>, vector<16xf32>, vector<16xf32>, vector<16xf32>, vector<16xf32>, vector<16xf32>, vector<16xf32>
      }
      %scan3A_85 = arith.constant 16 : i32
      %add3A_86 = arith.addf %scan3A_84#0, %scan3A_84#4 : vector<16xf32>
      %add3A_87 = arith.addf %scan3A_84#1, %scan3A_84#5 : vector<16xf32>
      %add3A_88 = arith.addf %scan3A_84#2, %scan3A_84#6 : vector<16xf32>
      %add3A_89 = arith.addf %scan3A_84#3, %scan3A_84#7 : vector<16xf32>
      %add3A_90 = arith.addf %add3A_86, %add3A_88 : vector<16xf32>
      %add3A_91 = arith.addf %add3A_87, %add3A_89 : vector<16xf32>
      %add3A_92 = arith.addf %add3A_90, %add3A_91 : vector<16xf32>
      %convert_element_type3A_93 = arith.fptosi %add3A_92 : vector<16xf32> to vector<16xi32>
      %get3A = arith.constant 0 : index
      %get3A_94 = tpu.vector_load %arg14[%get3A] {strides = array<i32>} : memref<16xi32, #tpu.memory_space<vmem>>, vector<16xi32>,
      %get3A_95 = vector.shape_cast %get3A_94 : vector<16xi32> to vector<16xi32>
      %eq3A_96 = arith.constant 0 : i32
      %eq3A_97 = vector.broadcast %eq3A_96 : i32 to vector<16xi32>
      %eq3A_98 = arith.cmpi eq, %convert_element_type3A_93, %eq3A_97 : vector<16xi32>
      %sub3A = arith.constant 1 : i32
      %sub3A_99 = vector.broadcast %sub3A : i32 to vector<16xi32>
      %sub3A_100 = arith.subi %convert_element_type3A_93, %sub3A_99 : vector<16xi32>
      %jit3A = arith.constant 2048 : i32
      %broadcast_in_dim3A_101 = vector.broadcast %jit3A : i32 to vector<16xi32>
      %select_n3A = arith.select %eq3A_98, %broadcast_in_dim3A_101, %sub3A_100 : vector<16xi1>, vector<16xi32>
      %ne3A = arith.constant 0 : i32
      %ne3A_102 = vector.broadcast %ne3A : i32 to vector<16xi32>
      %ne3A_103 = arith.cmpi ne, %get3A_95, %ne3A_102 : vector<16xi32>
      %select_n3A_104 = arith.select %ne3A_103, %select_n3A, %convert_element_type3A_93 : vector<16xi1>, vector<16xi32>
      %eq3A_105 = arith.constant 0 : i32
      %eq3A_106 = arith.cmpi eq, %arg0, %eq3A_105 : i32
      %convert_element_type3A_107 = arith.extui %eq3A_106 : i1 to i32
      %cond3A_108 = arith.constant 0 : i32
      %cond3A_109 = arith.cmpi ne, %convert_element_type3A_107, %cond3A_108 : i32
      scf.if %cond3A_109 {
        %sub3A_115 = arith.constant 1 : i32
        %sub3A_116 = vector.broadcast %sub3A_115 : i32 to vector<16xi32>
        %sub3A_117 = arith.subi %select_n3A_104, %sub3A_116 : vector<16xi32>
        %max3A = arith.constant 0 : i32
        %max3A_118 = vector.broadcast %max3A : i32 to vector<16xi32>
        %max3A_119 = arith.maxsi %sub3A_117, %max3A_118 : vector<16xi32>
        %mul3A_120 = arith.constant 16 : i32
        %mul3A_121 = vector.broadcast %mul3A_120 : i32 to vector<16xi32>
        %mul3A_122 = arith.muli %max3A_119, %mul3A_121 : vector<16xi32>
        %add3A_123 = arith.addi %mul3A_122, %iota3A : vector<16xi32>
        %swap3A_124 = arith.constant 0 : index
        %swap3A_125 = tpu.vector_load %arg15[%swap3A_124] {strides = array<i32>} : memref<16xi32, #tpu.memory_space<vmem>>, vector<16xi32>,
        %swap3A_126 = vector.shape_cast %swap3A_125 : vector<16xi32> to vector<16xi32>
        %swap3A_127 = vector.shape_cast %add3A_123 : vector<16xi32> to vector<16xi32>
        tpu.vector_store %arg15[%swap3A_124], %swap3A_127 {strides = array<i32>} : memref<16xi32, #tpu.memory_space<vmem>>, vector<16xi32>,
        %dma_start3A_128 = arith.constant 0 : i32
        %dma_start3A_129 = arith.constant 0 : i32
        %dma_start3A_130 = tpu.memref_slice %arg2[%dma_start3A_128, %dma_start3A_129] : memref<32768x512xf32, #tpu.memory_space<hbm>> -> memref<32768x512xf32, #tpu.memory_space<hbm>>
        tpu.enqueue_indirect_dma source(%dma_start3A_130 : memref<32768x512xf32, #tpu.memory_space<hbm>>) target(%arg16 : memref<16x512xf32, #tpu.memory_space<vmem>>) offsets(%arg15 : memref<16xi32, #tpu.memory_space<vmem>>) semaphore(%arg18 : memref<!tpu.dma_semaphore, #tpu.memory_space<semaphore_mem>>)
        %dma_wait3A_131 = arith.constant 0 : i32
        %dma_wait3A_132 = arith.constant 0 : i32
        %dma_wait3A_133 = tpu.memref_slice %arg2[%dma_wait3A_131, %dma_wait3A_132] : memref<32768x512xf32, #tpu.memory_space<hbm>> -> memref<32768x512xf32, #tpu.memory_space<hbm>>
        tpu.wait_indirect_dma semaphore(%arg18 : memref<!tpu.dma_semaphore, #tpu.memory_space<semaphore_mem>>) src(%dma_wait3A_133 : memref<32768x512xf32, #tpu.memory_space<hbm>>) dst(%arg16 : memref<16x512xf32, #tpu.memory_space<vmem>>)
        %scan3A_134 = arith.constant 0 : i32
        %scan3A_135 = arith.constant 0 : i32
        %scan3A_136 = arith.constant 16 : i32
        %scan3A_137 = arith.addi %scan3A_135, %scan3A_136 : i32
        %scan3A_138 = arith.constant 1 : i32
        scf.for %scan3A_140 = %scan3A_135 to %scan3A_137 step %scan3A_138  : i32 {
          %add3A_141 = vector.broadcast %scan3A_140 : i32 to vector<16xi32>
          %add3A_142 = arith.addi %iota3A, %add3A_141 : vector<16xi32>
          %and3A = arith.constant 15 : i32
          %and3A_143 = vector.broadcast %and3A : i32 to vector<16xi32>
          %and3A_144 = arith.andi %add3A_142, %and3A_143 : vector<16xi32>
          %lt3A = arith.constant 0 : i32
          %lt3A_145 = vector.broadcast %lt3A : i32 to vector<16xi32>
          %lt3A_146 = arith.cmpi slt, %and3A_144, %lt3A_145 : vector<16xi32>
          %add3A_147 = arith.constant 16 : i32
          %add3A_148 = vector.broadcast %add3A_147 : i32 to vector<16xi32>
          %add3A_149 = arith.addi %and3A_144, %add3A_148 : vector<16xi32>
          %select_n3A_150 = arith.select %lt3A_146, %add3A_149, %and3A_144 : vector<16xi1>, vector<16xi32>
          %broadcast_in_dim3A_151 = vector.shape_cast %select_n3A_150 : vector<16xi32> to vector<16x1xi32>
          %gather3A = vector.shape_cast %broadcast_in_dim3A_151 : vector<16x1xi32> to vector<16xi32>
          %gather3A_152 = tpu.dynamic_gather %select_n3A_104[%gather3A] in [0] : vector<16xi32>, vector<16xi32> -> vector<16xi32>
          %slice3A = vector.extract_strided_slice %gather3A_152 {offsets = [0], sizes = [1], strides = [1]} : vector<16xi32> to vector<1xi32>
          %squeeze3A = vector.extract %slice3A[0] : i32 from vector<1xi32>
          %eq3A_153 = arith.constant 0 : i32
          %eq3A_154 = arith.cmpi eq, %squeeze3A, %eq3A_153 : i32
          %convert_element_type3A_155 = arith.extui %eq3A_154 : i1 to i32
          %cond3A_156 = arith.constant 0 : i32
          %cond3A_157 = arith.cmpi ne, %convert_element_type3A_155, %cond3A_156 : i32
          scf.if %cond3A_157 {
            "tpu.region"() ({
              %run_scoped3A = tpu.sem_alloc : memref<!tpu.dma_semaphore, #tpu.memory_space<semaphore_mem>>
              %dma_start3A_158 = arith.constant 0 : i32
              %dma_start3A_159 = tpu.memref_slice %arg16[%scan3A_140, %dma_start3A_158] : memref<16x512xf32, #tpu.memory_space<vmem>> -> memref<1x512xf32, #tpu.memory_space<vmem>>
              %dma_start3A_160 = tpu.memref_squeeze %dma_start3A_159 : memref<1x512xf32, #tpu.memory_space<vmem>> -> memref<512xf32, #tpu.memory_space<vmem>>
              %dma_start3A_161 = arith.constant 0 : i32
              %dma_start3A_162 = tpu.memref_slice %arg16[%scan3A_140, %dma_start3A_161] : memref<16x512xf32, #tpu.memory_space<vmem>> -> memref<1x512xf32, #tpu.memory_space<vmem>>
              %dma_start3A_163 = tpu.memref_squeeze %dma_start3A_162 : memref<1x512xf32, #tpu.memory_space<vmem>> -> memref<512xf32, #tpu.memory_space<vmem>>
              tpu.enqueue_dma source(%arg6 : memref<512xf32, #tpu.memory_space<hbm>>) target(%dma_start3A_163 : memref<512xf32, #tpu.memory_space<vmem>>) target_semaphore(%run_scoped3A : memref<!tpu.dma_semaphore, #tpu.memory_space<semaphore_mem>>)
              %dma_wait3A_164 = arith.constant 0 : i32
              %dma_wait3A_165 = tpu.memref_slice %arg16[%scan3A_140, %dma_wait3A_164] : memref<16x512xf32, #tpu.memory_space<vmem>> -> memref<1x512xf32, #tpu.memory_space<vmem>>
              %dma_wait3A_166 = tpu.memref_squeeze %dma_wait3A_165 : memref<1x512xf32, #tpu.memory_space<vmem>> -> memref<512xf32, #tpu.memory_space<vmem>>
              %dma_wait3A_167 = arith.constant 0 : i32
              %dma_wait3A_168 = tpu.memref_slice %arg16[%scan3A_140, %dma_wait3A_167] : memref<16x512xf32, #tpu.memory_space<vmem>> -> memref<1x512xf32, #tpu.memory_space<vmem>>
              %dma_wait3A_169 = tpu.memref_squeeze %dma_wait3A_168 : memref<1x512xf32, #tpu.memory_space<vmem>> -> memref<512xf32, #tpu.memory_space<vmem>>
              tpu.wait_dma2 semaphore(%run_scoped3A : memref<!tpu.dma_semaphore, #tpu.memory_space<semaphore_mem>>) src(%arg6 : memref<512xf32, #tpu.memory_space<hbm>>) dst(%dma_wait3A_169 : memref<512xf32, #tpu.memory_space<vmem>>)
              tpu.yield
            }) : () -> ()
          } else {
          }
        }
        %scan3A_139 = arith.constant 16 : i32
        "tpu.region"() ({
          %run_scoped3A = tpu.sem_alloc : memref<!tpu.dma_semaphore, #tpu.memory_space<semaphore_mem>>
          tpu.enqueue_dma source(%arg16 : memref<16x512xf32, #tpu.memory_space<vmem>>) target(%arg8 : memref<16x512xf32, #tpu.memory_space<hbm>>) target_semaphore(%run_scoped3A : memref<!tpu.dma_semaphore, #tpu.memory_space<semaphore_mem>>)
          tpu.wait_dma2 semaphore(%run_scoped3A : memref<!tpu.dma_semaphore, #tpu.memory_space<semaphore_mem>>) src(%arg16 : memref<16x512xf32, #tpu.memory_space<vmem>>) dst(%arg8 : memref<16x512xf32, #tpu.memory_space<hbm>>)
          tpu.yield
        }) : () -> ()
      } else {
      }
      %eq3A_110 = arith.constant 1 : i32
      %eq3A_111 = arith.cmpi eq, %arg0, %eq3A_110 : i32
      %convert_element_type3A_112 = arith.extui %eq3A_111 : i1 to i32
      %cond3A_113 = arith.constant 0 : i32
      %cond3A_114 = arith.cmpi ne, %convert_element_type3A_112, %cond3A_113 : i32
      scf.if %cond3A_114 {
        %sub3A_115 = arith.constant 1 : i32
        %sub3A_116 = vector.broadcast %sub3A_115 : i32 to vector<16xi32>
        %sub3A_117 = arith.subi %select_n3A_104, %sub3A_116 : vector<16xi32>
        %max3A = arith.constant 0 : i32
        %max3A_118 = vector.broadcast %max3A : i32 to vector<16xi32>
        %max3A_119 = arith.maxsi %sub3A_117, %max3A_118 : vector<16xi32>
        %mul3A_120 = arith.constant 16 : i32
        %mul3A_121 = vector.broadcast %mul3A_120 : i32 to vector<16xi32>
        %mul3A_122 = arith.muli %max3A_119, %mul3A_121 : vector<16xi32>
        %add3A_123 = arith.addi %mul3A_122, %iota3A : vector<16xi32>
        %swap3A_124 = arith.constant 0 : index
        %swap3A_125 = tpu.vector_load %arg15[%swap3A_124] {strides = array<i32>} : memref<16xi32, #tpu.memory_space<vmem>>, vector<16xi32>,
        %swap3A_126 = vector.shape_cast %swap3A_125 : vector<16xi32> to vector<16xi32>
        %swap3A_127 = vector.shape_cast %add3A_123 : vector<16xi32> to vector<16xi32>
        tpu.vector_store %arg15[%swap3A_124], %swap3A_127 {strides = array<i32>} : memref<16xi32, #tpu.memory_space<vmem>>, vector<16xi32>,
        %dma_start3A_128 = arith.constant 0 : i32
        %dma_start3A_129 = arith.constant 0 : i32
        %dma_start3A_130 = tpu.memref_slice %arg3[%dma_start3A_128, %dma_start3A_129] : memref<32768x512xf32, #tpu.memory_space<hbm>> -> memref<32768x512xf32, #tpu.memory_space<hbm>>
        tpu.enqueue_indirect_dma source(%dma_start3A_130 : memref<32768x512xf32, #tpu.memory_space<hbm>>) target(%arg16 : memref<16x512xf32, #tpu.memory_space<vmem>>) offsets(%arg15 : memref<16xi32, #tpu.memory_space<vmem>>) semaphore(%arg18 : memref<!tpu.dma_semaphore, #tpu.memory_space<semaphore_mem>>)
        %dma_wait3A_131 = arith.constant 0 : i32
        %dma_wait3A_132 = arith.constant 0 : i32
        %dma_wait3A_133 = tpu.memref_slice %arg3[%dma_wait3A_131, %dma_wait3A_132] : memref<32768x512xf32, #tpu.memory_space<hbm>> -> memref<32768x512xf32, #tpu.memory_space<hbm>>
        tpu.wait_indirect_dma semaphore(%arg18 : memref<!tpu.dma_semaphore, #tpu.memory_space<semaphore_mem>>) src(%dma_wait3A_133 : memref<32768x512xf32, #tpu.memory_space<hbm>>) dst(%arg16 : memref<16x512xf32, #tpu.memory_space<vmem>>)
        %scan3A_134 = arith.constant 0 : i32
        %scan3A_135 = arith.constant 0 : i32
        %scan3A_136 = arith.constant 16 : i32
        %scan3A_137 = arith.addi %scan3A_135, %scan3A_136 : i32
        %scan3A_138 = arith.constant 1 : i32
        scf.for %scan3A_140 = %scan3A_135 to %scan3A_137 step %scan3A_138  : i32 {
          %add3A_141 = vector.broadcast %scan3A_140 : i32 to vector<16xi32>
          %add3A_142 = arith.addi %iota3A, %add3A_141 : vector<16xi32>
          %and3A = arith.constant 15 : i32
          %and3A_143 = vector.broadcast %and3A : i32 to vector<16xi32>
          %and3A_144 = arith.andi %add3A_142, %and3A_143 : vector<16xi32>
          %lt3A = arith.constant 0 : i32
          %lt3A_145 = vector.broadcast %lt3A : i32 to vector<16xi32>
          %lt3A_146 = arith.cmpi slt, %and3A_144, %lt3A_145 : vector<16xi32>
          %add3A_147 = arith.constant 16 : i32
          %add3A_148 = vector.broadcast %add3A_147 : i32 to vector<16xi32>
          %add3A_149 = arith.addi %and3A_144, %add3A_148 : vector<16xi32>
          %select_n3A_150 = arith.select %lt3A_146, %add3A_149, %and3A_144 : vector<16xi1>, vector<16xi32>
          %broadcast_in_dim3A_151 = vector.shape_cast %select_n3A_150 : vector<16xi32> to vector<16x1xi32>
          %gather3A = vector.shape_cast %broadcast_in_dim3A_151 : vector<16x1xi32> to vector<16xi32>
          %gather3A_152 = tpu.dynamic_gather %select_n3A_104[%gather3A] in [0] : vector<16xi32>, vector<16xi32> -> vector<16xi32>
          %slice3A = vector.extract_strided_slice %gather3A_152 {offsets = [0], sizes = [1], strides = [1]} : vector<16xi32> to vector<1xi32>
          %squeeze3A = vector.extract %slice3A[0] : i32 from vector<1xi32>
          %eq3A_153 = arith.constant 0 : i32
          %eq3A_154 = arith.cmpi eq, %squeeze3A, %eq3A_153 : i32
          %convert_element_type3A_155 = arith.extui %eq3A_154 : i1 to i32
          %cond3A_156 = arith.constant 0 : i32
          %cond3A_157 = arith.cmpi ne, %convert_element_type3A_155, %cond3A_156 : i32
          scf.if %cond3A_157 {
            "tpu.region"() ({
              %run_scoped3A = tpu.sem_alloc : memref<!tpu.dma_semaphore, #tpu.memory_space<semaphore_mem>>
              %dma_start3A_158 = arith.constant 0 : i32
              %dma_start3A_159 = tpu.memref_slice %arg16[%scan3A_140, %dma_start3A_158] : memref<16x512xf32, #tpu.memory_space<vmem>> -> memref<1x512xf32, #tpu.memory_space<vmem>>
              %dma_start3A_160 = tpu.memref_squeeze %dma_start3A_159 : memref<1x512xf32, #tpu.memory_space<vmem>> -> memref<512xf32, #tpu.memory_space<vmem>>
              %dma_start3A_161 = arith.constant 0 : i32
              %dma_start3A_162 = tpu.memref_slice %arg16[%scan3A_140, %dma_start3A_161] : memref<16x512xf32, #tpu.memory_space<vmem>> -> memref<1x512xf32, #tpu.memory_space<vmem>>
              %dma_start3A_163 = tpu.memref_squeeze %dma_start3A_162 : memref<1x512xf32, #tpu.memory_space<vmem>> -> memref<512xf32, #tpu.memory_space<vmem>>
              tpu.enqueue_dma source(%arg7 : memref<512xf32, #tpu.memory_space<hbm>>) target(%dma_start3A_163 : memref<512xf32, #tpu.memory_space<vmem>>) target_semaphore(%run_scoped3A : memref<!tpu.dma_semaphore, #tpu.memory_space<semaphore_mem>>)
              %dma_wait3A_164 = arith.constant 0 : i32
              %dma_wait3A_165 = tpu.memref_slice %arg16[%scan3A_140, %dma_wait3A_164] : memref<16x512xf32, #tpu.memory_space<vmem>> -> memref<1x512xf32, #tpu.memory_space<vmem>>
              %dma_wait3A_166 = tpu.memref_squeeze %dma_wait3A_165 : memref<1x512xf32, #tpu.memory_space<vmem>> -> memref<512xf32, #tpu.memory_space<vmem>>
              %dma_wait3A_167 = arith.constant 0 : i32
              %dma_wait3A_168 = tpu.memref_slice %arg16[%scan3A_140, %dma_wait3A_167] : memref<16x512xf32, #tpu.memory_space<vmem>> -> memref<1x512xf32, #tpu.memory_space<vmem>>
              %dma_wait3A_169 = tpu.memref_squeeze %dma_wait3A_168 : memref<1x512xf32, #tpu.memory_space<vmem>> -> memref<512xf32, #tpu.memory_space<vmem>>
              tpu.wait_dma2 semaphore(%run_scoped3A : memref<!tpu.dma_semaphore, #tpu.memory_space<semaphore_mem>>) src(%arg7 : memref<512xf32, #tpu.memory_space<hbm>>) dst(%dma_wait3A_169 : memref<512xf32, #tpu.memory_space<vmem>>)
              tpu.yield
            }) : () -> ()
          } else {
          }
        }
        %scan3A_139 = arith.constant 16 : i32
        "tpu.region"() ({
          %run_scoped3A = tpu.sem_alloc : memref<!tpu.dma_semaphore, #tpu.memory_space<semaphore_mem>>
          tpu.enqueue_dma source(%arg16 : memref<16x512xf32, #tpu.memory_space<vmem>>) target(%arg9 : memref<16x512xf32, #tpu.memory_space<hbm>>) target_semaphore(%run_scoped3A : memref<!tpu.dma_semaphore, #tpu.memory_space<semaphore_mem>>)
          tpu.wait_dma2 semaphore(%run_scoped3A : memref<!tpu.dma_semaphore, #tpu.memory_space<semaphore_mem>>) src(%arg16 : memref<16x512xf32, #tpu.memory_space<vmem>>) dst(%arg9 : memref<16x512xf32, #tpu.memory_space<hbm>>)
          tpu.yield
        }) : () -> ()
      } else {
      }
    } else {
    }
    return
  }
}

</mosaic_0001>

<sc_bundles>
// kernel: kernel.3.cloned.1.call-start
scs
__scs_entry_jumppad:
0x0: {  	(pc) =	sbr.rel $0x88, $3  }
0x1: {  	(tag) =	ssettag $0x0;
	lr =	simm.s32 $0x1  }
0x2: {  	[smem:$0x3F9B] =	sst lr;
	_ =	strace $0xD0000000  }
0x3: {  	_ = 	snop  }
0x4: {  	_ = 	snop  }
0x5: {  	_ = 	snop  }
0x6: {  	_ = 	snop  }
0x7: {  	_ = 	snop  }
__scs_overlays_trampoline_lowered:
0x8: {  	[smem:$0x3FAA] =	sst s0  }
0x9: {  	[smem:$0x3FAB] =	sst s1  }
0xa: {  	[smem:$0x3FAC] =	sst s2  }
0xb: {  	[smem:$0x3FAD] =	sst s3  }
0xc: {  	[smem:$0x3FAE] =	sst s4  }
0xd: {  	[smem:$0x3FAF] =	sst s5  }
0xe: {  	[smem:$0x3FB0] =	sst s6  }
0xf: {  	[smem:$0x3FB1] =	sst s7  }
0x10: {  	[smem:$0x3FB2] =	sst s8  }
0x11: {  	[smem:$0x3FB3] =	sst s9;
	s0 =	simm.s32 @!p0 $0x0  }
0x12: {  	s1 =	sld [smem:$0x3F99];
	s0 =	simm.s32 @p0 $0x1  }
0x13: {  	[smem:$0x3FB4] =	sst s0;
	s0 =	simm.s32 @!p1 $0x0  }
0x14: {  	s2 =	sld [smem:$0x3F98];
	s0 =	simm.s32 @p1 $0x1  }
0x15: {  	[smem:$0x3FB5] =	sst s0;
	s0 =	simm.s32 @!p2 $0x0  }
0x16: {  	s3 =	sld [smem:$0x3FDB];
	s0 =	simm.s32 @p2 $0x1  }
0x17: {  	s4 =	simm.s32 $0x1BF5;
	[smem:$0x3FB7] =	sst s0  }
0x18: {  	s0 =	sld [smem:$0x3F9A];
	_ =	swait.ge [sflag:s4], $0x0  }
0x19: {  	s7 =	sld [smem:$0x3F9B]  }
0x1a: {  	s8 =	sadd.s32 $0xFFFFE003, lr  }
0x1b: {  	s9 =	sadd.s32 $0xFFFFFEF7, lr;
	s5 =	simm.s32 $0xFFFFFFFF;
	p2 =	slt.u32 s8, $0xFFFFF086  }
0x1c: {  	p1 =	slt.u32 s9, $0xF7A;
	s5 =	simm.s32 @!p2 $0x0  }
0x1d: {  	s5 =	simm.s32 @p1 $0x1;
	p0 =	seq.s32 s7, s2  }
0x1e: {  	s7 =	smul.u32 @!p0 $0xF7A, s2;
	p2 =	seq.s32 @!p0 s5, $0x0  }
0x1f: {  	s9 =	smul.u32 $0xF7A, s1;
	s8 =	simm.s32 @!p0 $0x1BF5;
	p2 =	por !p2, p0  }
0x20: {  	[sflag:s8] =	ssyncset.s32 @!p0 $0xFFFFF086;
	s6 =	sadd.s32 @!p0 s3, s7;
	s7 =	simm.s32 @!p0 $0x108  }
0x21: {  	s3 =	sadd.s32 s3, s9;
	s6 =	sadd.s32 @!p0 $0x88, s6;
	s7 =	simm.s32 @p2 $0x1082  }
0x22: {  	[simem:s7], [sflag:s8] =	dma.local @!p0 [hbm:s6], $0xF7A  }
0x23: {  	s9 =	sor.u32 $0xD0000000, s2;
	s6 =	simm.s32 $0x108;
	_ =	swait.ge @!p0 [sflag:s8], $0x0  }
0x24: {  	s3 =	sadd.s32 $0x88, s3;
	s6 =	simm.s32 @!p1 $0x1082;
	[sflag:s4] =	ssyncset.s32 $0xFFFFF086  }
0x25: {  	[simem:s6], [sflag:s4] =	dma.local [hbm:s3], $0xF7A  }
0x26: {  	[smem:$0x3F9B] =	sst s1;
	(tag) =	ssettag s2;
	_ =	strace s9  }
0x27: {  	s1 =	sld [smem:$0x3FAB]  }
0x28: {  	s2 =	sld [smem:$0x3FAC]  }
0x29: {  	s4 =	sld [smem:$0x3FAE]  }
0x2a: {  	p0 =	seq.s32 s5, $0x0;
	s5 =	sld [smem:$0x3FAF]  }
0x2b: {  	s6 =	sld [smem:$0x3FB0]  }
0x2c: {  	s7 =	sld [smem:$0x3FB1]  }
0x2d: {  	s3 =	simm.s32 $0x108;
	s8 =	sld [smem:$0x3FB2]  }
0x2e: {  	s3 =	simm.s32 @!p0 $0x1082;
	s9 =	sld [smem:$0x3FB3]  }
0x2f: {  	lr =	sadd.s32 s0, s3;
	s0 =	sld [smem:$0x3FAA]  }
0x30: {  	s3 =	sld [smem:$0x3FAD]  }
0x31: {  	[smem:$0x3FB6] =	sst s10  }
0x32: {  	s10 =	sld [smem:$0x3FB4];
	_ =	sdelay $0x3  }
0x33: {  	p0 =	seq.s32 s10, $0x1;
	s10 =	sld [smem:$0x3FB6];
	_ =	sdelay $0x3  }
0x34: {  	[smem:$0x3FB6] =	sst s10  }
0x35: {  	s10 =	sld [smem:$0x3FB5];
	_ =	sdelay $0x3  }
0x36: {  	p1 =	seq.s32 s10, $0x1;
	s10 =	sld [smem:$0x3FB6];
	_ =	sdelay $0x3  }
0x37: {  	[smem:$0x3FB6] =	sst s10  }
0x38: {  	s10 =	sld [smem:$0x3FB7]  }
0x39: {  	_ = 	snop;
	(pc) =	sbr.ind lr, $3  }
0x3a: {  	_ = 	snop  }
0x3b: {  	_ = 	snop  }
0x3c: {  	p2 =	seq.s32 s10, $0x1;
	s10 =	sld [smem:$0x3FB6]  }
0x3d: {  	_ =	shalt  }
0x3e: {  	_ =	shalt  }
0x3f: {  	_ =	shalt  }
0x40: {  	_ =	shalt  }
0x41: {  	_ =	shalt  }
0x42: {  	_ =	shalt  }
0x43: {  	_ =	shalt  }
0x44: {  	_ =	shalt  }
0x45: {  	_ =	shalt  }
0x46: {  	_ =	shalt  }
0x47: {  	_ =	shalt  }
0x48: {  	_ =	shalt  }
0x49: {  	_ =	shalt  }
0x4a: {  	_ =	shalt  }
0x4b: {  	_ =	shalt  }
0x4c: {  	_ =	shalt  }
0x4d: {  	_ =	shalt  }
0x4e: {  	_ =	shalt  }
0x4f: {  	_ =	shalt  }
0x50: {  	_ =	shalt  }
0x51: {  	_ =	shalt  }
0x52: {  	_ =	shalt  }
0x53: {  	_ =	shalt  }
0x54: {  	_ =	shalt  }
0x55: {  	_ =	shalt  }
0x56: {  	_ =	shalt  }
0x57: {  	_ =	shalt  }
0x58: {  	_ =	shalt  }
0x59: {  	_ =	shalt  }
0x5a: {  	_ =	shalt  }
0x5b: {  	_ =	shalt  }
0x5c: {  	_ =	shalt  }
0x5d: {  	_ =	shalt  }
0x5e: {  	_ =	shalt  }
0x5f: {  	_ =	shalt  }
0x60: {  	_ =	shalt  }
0x61: {  	_ =	shalt  }
0x62: {  	_ =	shalt  }
0x63: {  	_ =	shalt  }
0x64: {  	_ =	shalt  }
0x65: {  	_ =	shalt  }
0x66: {  	_ =	shalt  }
0x67: {  	_ =	shalt  }
0x68: {  	_ =	shalt  }
0x69: {  	_ =	shalt  }
0x6a: {  	_ =	shalt  }
0x6b: {  	_ =	shalt  }
0x6c: {  	_ =	shalt  }
0x6d: {  	_ =	shalt  }
0x6e: {  	_ =	shalt  }
0x6f: {  	_ =	shalt  }
0x70: {  	_ =	shalt  }
0x71: {  	_ =	shalt  }
0x72: {  	_ =	shalt  }
0x73: {  	_ =	shalt  }
0x74: {  	_ =	shalt  }
0x75: {  	_ =	shalt  }
0x76: {  	_ =	shalt  }
0x77: {  	_ =	shalt  }
0x78: {  	_ =	shalt  }
0x79: {  	_ =	shalt  }
0x7a: {  	_ =	shalt  }
0x7b: {  	_ =	shalt  }
0x7c: {  	_ =	shalt  }
0x7d: {  	_ =	shalt  }
0x7e: {  	_ =	shalt  }
0x7f: {  	_ =	shalt  }
0x80: {  	_ =	shalt  }
0x81: {  	_ =	shalt  }
0x82: {  	_ =	shalt  }
0x83: {  	_ =	shalt  }
0x84: {  	_ =	shalt  }
0x85: {  	_ =	shalt  }
0x86: {  	_ =	shalt  }
0x87: {  	_ =	shalt  }
.Lfunc_end0:
.L_simem_size_0:
called_computation_lowered:
.L_overlay_start_0:
0x88: {  	s2 =	sld [smem:$0x3FD9]  }
0x89: {  	s3 =	sld [smem:$0x3FFE];
	_ =	sdelay $0x1  }
0x8a: {  	s1 =	srdreg.scid  }
0x8b: {  	s0 =	sand.u32 $0x1, s1  }
0x8c: {  	s14 =	sshll.u32 s0, $0xA;
	s2 =	sadd.s32 s3, s2  }
0x8d: {  	s2 =	sadd.s32 s2, s14  }
0x8e: {  	[smem:$0x3FC2] =	sst s2  }
0x8f: {  	_ = 	snop  }
0x90: {  	s2 =	sld [smem:$0x3FC9]  }
0x91: {  	s15 =	sld [smem:$0x3FC8]  }
0x92: {  	s4 =	sld [smem:$0x3FD0]  }
0x93: {  	s5 =	sld [smem:$0x3FC6]  }
0x94: {  	s6 =	sld [smem:$0x3FC5]  }
0x95: {  	s8 =	simm.s32 $0xA;
	s9 =	simm.s32 $0x10;
	s7 =	sld [smem:$0x3FC4]  }
0x96: {  	[smem:s9], [sflag:s8] =	dma.local [hbm:s4], $0x1  }
0x97: {  	_ =	swait.eq [sflag:s8], $0x1  }
0x98: {  	[sflag:s8] =	ssyncset.done $0x0  }
0x99: {  	s16 =	sld [smem:$0x10];
	[sflag:s8] =	ssyncadd.s32 $0xFFFFFFFF  }
0x9a: {  	s17 =	sld [smem:$0x11];
	(tm) =	ssettm $0x1  }
0x9b: {  	s18 =	sld [smem:$0x3FFB];
	_ =	sdelay $0x3  }
0x9c: {  	_ =	strace s18  }
0x9d: {  	s9 =	sld [smem:$0x3FFC];
	_ =	sdelay $0x3  }
0x9e: {  	_ =	strace s9  }
0x9f: {  	s9 =	sld [smem:$0x3FFD];
	_ =	sdelay $0x3  }
0xa0: {  	_ =	strace s9  }
0xa1: {  	_ =	strace $0x8FFFFFFF  }
0xa2: {  	s19 =	sld [smem:$0x3FDB];
	_ =	sdelay $0x1  }
0xa3: {  	s10 =	simm.s32 $_scs_section_size  }
0xa4: {  	s11 =	simm.s32 $_size__tile_overlayer_lowered;
	s12 =	simm.s32 $_tile_overlayer_lowered  }
0xa5: {  	s22 =	simm.s32 $0x1BFF;
	s21 =	sshll.u32 s12, $0x1;
	s9 =	sadd.s32 s10, s19  }
0xa6: {  	s13 =	simm.s32 $0x0;
	s20 =	sshll.u32 s11, $0x1;
	s11 =	sadd.s32 s21, s9  }
0xa7: {  	[timem:s13], [sflag:s22] =	dma.local [hbm:s11], s20  }
0xa8: {  	_ =	swait.ge [sflag:s22], s20  }
0xa9: {  	s10 =	ssub.s32 $0x0, s20;
	[sflag:s22] =	ssyncset.done $0x0  }
0xaa: {  	[sflag:s22] =	ssyncadd.s32 s10;
	_ =	sdelay $0x1  }
0xab: {  	s23 =	simm.s32 $0x1B8B  }
0xac: {  	_ =	swait.ge [sflag:s23], $0x1  }
0xad: {  	[sflag:s23] =	ssyncset.done $0x0  }
0xae: {  	s25 =	simm.s32 $0x1B8E;
	s24 =	sld [smem:$0x3FFE];
	[sflag:s23] =	ssyncadd.s32 $0xFFFFFFFF  }
0xaf: {  	s26 =	simm.s32 $execute0_lowered;
	[smem:$0x3FD2] =	sst s25  }
0xb0: {  	s11 =	sshll.u32 s26, $0x1;
	_ =	strace $0x80000046;
	[dreg:$0x1] =	wrdreg $0xFFFFFFFF  }
0xb1: {  	s28 =	simm.s32 $_size_execute0_lowered;
	s9 =	sadd.s32 s9, s11;
	[dreg:$0x0] =	wrdreg $0x0  }
0xb2: {  	s11 =	sshll.u32 s28, $0x1;
	[dreg:$0x2] =	wrdreg s9  }
0xb3: {  	[dreg:$0x3] =	wrdreg s11  }
0xb4: {  	[dreg:$0x4] =	wrdreg $0xC0  }
0xb5: {  	_ =	task [dreg:s13], $0x5FFFF  }
0xb6: {  	[dreg:$0x1] =	wrdreg $0xFFFFFFFF  }
0xb7: {  	[dreg:$0x0] =	wrdreg $0x60  }
0xb8: {  	[dreg:$0x2] =	wrdreg s2  }
0xb9: {  	[dreg:$0x3] =	wrdreg s15  }
0xba: {  	[dreg:$0x4] =	wrdreg s24  }
0xbb: {  	[dreg:$0x5] =	wrdreg s5  }
0xbc: {  	[dreg:$0x6] =	wrdreg s6  }
0xbd: {  	[dreg:$0x7] =	wrdreg s7  }
0xbe: {  	[dreg:$0x8] =	wrdreg s16  }
0xbf: {  	[dreg:$0x9] =	wrdreg s17  }
0xc0: {  	[dreg:$0xa] =	wrdreg $0x32000  }
0xc1: {  	[dreg:$0xb] =	wrdreg $0x9  }
0xc2: {  	_ =	task.clear_ibuf [dreg:s13], $0xCFFFF;
	_ =	strace $0x90000046  }
0xc3: {  	s29 =	simm.s32 $0x9;
	_ =	strace $0x80000048  }
0xc4: {  	_ =	swait.ge [sflag:s29], $0x1  }
0xc5: {  	[sflag:s29] =	ssyncadd.s32 $0xFFFFFFFF  }
0xc6: {  	_ =	strace $0x90000048  }
0xc7: {  	_ =	sfence  }
0xc8: {  	s30 =	sld [smem:$0x0];
	_ =	sdelay $0x2  }
0xc9: {  	s31 =	sshll.u32 s1, $0xD;
	s1 =	sshrl.u32 s1, $0x2  }
0xca: {  	s3 =	sand.u32 $0x4000, s31;
	s1 =	sadd.s32 s1, s30  }
0xcb: {  	s0 =	sor.u32 s3, s0;
	s1 =	sshll.u32 s1, $0x11  }
0xcc: {  	s0 =	sor.u32 s1, s0  }
0xcd: {  	s0 =	sadd.s32 $0x8F2B, s0  }
0xce: {  	[sflag:s0] =	ssyncadd.remote.s32 $0x1  }
0xcf: {  	_ =	sfence.sel $0xFFFF  }
0xd0: {  	[dreg:$0x0] =	wrdreg $0xFFFFFFFF;
	(pc) =	sbr.abs _section_cstart, $3  }
0xd1: {  	[dreg:$0x1] =	wrdreg $0xFFFFFFFF  }
0xd2: {  	_ =	task.clear_ibuf [dreg:s13], $0x2FFFF;
	_ =	strace $0x9FFFFFFF  }
0xd3: {  	(tm) =	ssettm $0x7FFFFFFF  }
tec
execute0_lowered:
.L_overlay_start_1:
0x0: {  	(tag) =	ssettag $0x1  }
0x1: {  	s8 =	rddreg [dreg:$0x0]  }
0x2: {  	s12 =	rddreg [dreg:$0x1]  }
0x3: {  	s0 =	rddreg [dreg:$0x2]  }
0x4: {  	s3 =	rddreg [dreg:$0x4]  }
0x5: {  	s4 =	rddreg [dreg:$0x5]  }
0x6: {  	s1 =	srdreg.scid;
	s10 =	rddreg [dreg:$0x8]  }
0x7: {  	s2 =	stileid.u32;
	_ =	strace $0x80000047;
	s20 =	simm.s32 $0x0  }
0x8: {  	s21 =	simm.s32 $0x10;
	s22 =	simm.s32 $0x800;
	s23 =	simm.s32 $0x1  }
0x9: {  	s24 =	simm.s32 $0x880;
	s25 =	simm.s32 $0x2;
	s29 =	simm.s32 $0x1200  }
0xa: {  	s1 =	sand.u32 $0x1, s1;
	s7 =	sshll.u32 s2, $0x7;
	s9 =	sadd.s32 $0x600, s0  }
0xb: {  	s11 =	sadd.s32 $0x100, s8;
	s12 =	sadd.s32 $0x100, s12;
	s14 =	sadd.s32 $0x10, s3  }
.Ltmp0:
0xc: {  	s15 =	sadd.s32 $0x20, s3;
	s16 =	sadd.s32 $0x30, s3;
	(pc) =	sbr.rel .LBB2_1-.Ltmp0, $4  }
0xd: {  	v0 =	vlaneseq.u32;
	s17 =	sadd.s32 $0x10, s4;
	s18 =	sadd.s32 $0x20, s4;
	s5 =	ssub.s32 $0x2, s1  }
0xe: {  	s19 =	sadd.s32 $0x30, s4;
	v1 =	vmul.u32 $0x10, v0;
	p1 =	sne.s32 s2, $0x0;
	s6 =	sshrl.u32 s5, $0x1  }
0xf: {  	vm0 =	vmmov $0xffff;
	v2 =	vand.u32 $0x7, v0;
	v3 =	vshrl.u32 v0, $0x3;
	s10 =	sadd.s32 s7, s10;
	p0 =	seq.s32 s1, $0x1;
	s31 =	ssub.s32 s5, s6  }
0x10: {  	v4 =	vor.u32 $0x8, v0;
	v3 =	vmul.u32 $0x8, v3;
	v1 =	vor.u32 s2, v1;
	s5 =	simm.s32 $0x2A00;
	s6 =	simm.s32 $0x0;
	s13 =	smax.u32 s31, $0x1  }
.LBB2_9:
0x11: {  	[tilespmem:s28], [sflag:$0x2] =	stream.linear.gather @!p3 [hbm4b:s16+s26], $0x80, $0x38;
	[tilespmem:$0x3280] =	vst v63  }
0x12: {  	_ =	swait.ge @!p3 [sflag:s1], $0x200  }
0x13: {  	s0 =	sor.u32 @!p2 s8, s30;
	[sflag:s1] =	ssyncset.done @!p3 $0x0  }
0x14: {  	s8 =	simm.s32 @!p2 $0x0;
	s26 =	sadd.s32 @!p2 $0x1200, s0;
	[sflag:s1] =	ssyncadd.s32 @!p3 $0xFFFFFE00  }
0x15: {  	[tilespmem:s26], [sflag:$0x2] =	stream.linear.gather @!p2 [hbm4b:s3+s8], $0x80, $0x38;
	[tilespmem:$0x3280] =	vst v63  }
0x16: {  	s28 =	simm.s32 @!p2 $0x2;
	s31 =	spop (v2sf);
	s1 =	sadd.s32 @!p2 $0x1600, s0  }
0x17: {  	[tilespmem:s1], [sflag:$0x2] =	stream.linear.gather @!p2 [hbm4b:s14+s8], $0x80, $0x38;
	[tilespmem:$0x3280] =	vst v63  }
0x18: {  	s2 =	sadd.s32 $0x80, s2;
	p3 =	sne.s32 s31, $0x0;
	s26 =	sadd.s32 @!p2 $0x1A00, s0  }
0x19: {  	[tilespmem:s26], [sflag:$0x2] =	stream.linear.gather @!p2 [hbm4b:s15+s8], $0x80, $0x38;
	[tilespmem:$0x3280] =	vst v63  }
0x1a: {  	s0 =	sadd.s32 @!p2 $0x1E00, s0;
	s1 =	sadd.s32 $0x200, s7;
	p2 =	por p2, p2  }
0x1b: {  	[tilespmem:s0], [sflag:$0x2] =	stream.linear.gather @!p2 [hbm4b:s16+s8], $0x80, $0x38;
	[tilespmem:$0x3280] =	vst v63  }
0x1c: {  	s0 =	sand.u32 @!p3 $0x1000, s1;
	s1 =	sand.u32 @!p3 $0x380, s2;
	_ =	swait.ge @!p2 [sflag:s28], $0x200  }
0x1d: {  	s0 =	sor.u32 @!p3 s1, s0;
	[sflag:s28] =	ssyncset.done @!p2 $0x0  }
0x1e: {  	s1 =	simm.s32 @!p3 $0x0;
	s2 =	sadd.s32 @!p3 $0x1200, s0;
	[sflag:s28] =	ssyncadd.s32 @!p2 $0xFFFFFE00  }
0x1f: {  	[tilespmem:s2], [sflag:$0x2] =	stream.linear.gather @!p3 [hbm4b:s3+s1], $0x80, $0x38;
	[tilespmem:$0x3280] =	vst v63  }
0x20: {  	s2 =	sadd.s32 @!p3 $0x1600, s0  }
0x21: {  	[tilespmem:s2], [sflag:$0x2] =	stream.linear.gather @!p3 [hbm4b:s14+s1], $0x80, $0x38;
	[tilespmem:$0x3280] =	vst v63  }
0x22: {  	s2 =	sadd.s32 @!p3 $0x1A00, s0  }
0x23: {  	[tilespmem:s2], [sflag:$0x2] =	stream.linear.gather @!p3 [hbm4b:s15+s1], $0x80, $0x38;
	[tilespmem:$0x3280] =	vst v63  }
0x24: {  	p2 =	por p3, p3;
	s0 =	sadd.s32 @!p3 $0x1E00, s0;
	s2 =	simm.s32 @!p3 $0x2  }
0x25: {  	[tilespmem:s0], [sflag:$0x2] =	stream.linear.gather @!p2 [hbm4b:s16+s1], $0x80, $0x38;
	[tilespmem:$0x3280] =	vst v63  }
0x26: {  	_ =	swait.ge @!p2 [sflag:s2], $0x200  }
0x27: {  	[sflag:s2] =	ssyncset.done @!p2 $0x0  }
0x28: {  	[sflag:s2] =	ssyncadd.s32 @!p2 $0xFFFFFE00  }
0x29: {  	s0 =	rddreg [dreg:$0x6]  }
.LBB2_13:
0x2a: {  	[hbm4b:s0+s20] =	stream.linear.scatter [tilespmem:s29], [sflag:$0x2], $0x2000, $0x38;
	[tilespmem:$0x3280] =	vst v63  }
0x2b: {  	_ =	swait.ge [sflag:s25], $0x2000  }
0x2c: {  	[sflag:s25] =	ssyncset.done $0x0  }
0x2d: {  	[sflag:s25] =	ssyncadd.s32 $0xFFFFE000  }
.LBB2_14:
0x2e: {  	s6 =	sadd.s32 $0x1, s6  }
0x2f: {  	p2 =	sne.s32 s6, s13  }
.Ltmp1:
0x30: {  	_ = 	snop;
	(pc) =	sbr.rel @!p2 .LBB2_15-.Ltmp1, $1  }
0x31: {  	_ =	sdelay $0x3  }
.LBB2_1:
0x32: {  	[tilespmem:$0x800] =	vst v1  }
0x33: {  	[tilespmem:s20], [sflag:$0x1] =	stream.indirect.gather [hbm4b:s9+s21], $0x80, s22, s21, $0xb8;
	[tilespmem:$0x3280] =	vst v63  }
0x34: {  	_ =	swait.ge [sflag:s23], $0x800  }
0x35: {  	[sflag:s23] =	ssyncset.done $0x0  }
0x36: {  	s2 =	simm.s32 $0x0;
	[sflag:s23] =	ssyncadd.s32 $0xFFFFF800  }
0x37: {  	v5 =	vld [tilespmem:s2+$0x70]  }
0x38: {  	v7 =	vld [tilespmem:s2+$0x0]  }
0x39: {  	v8 =	vld [tilespmem:s2+$0x10]  }
0x3a: {  	v16 =	vld [tilespmem:s2+$0x20]  }
0x3b: {  	v15 =	vld [tilespmem:s2+$0x30]  }
0x3c: {  	v6 =	vimm.f32 $0.0e+00;
	v11 =	vimm.f32 $0.0e+00;
	v12 =	vld [tilespmem:s2+$0x40]  }
0x3d: {  	v13 =	vimm.f32 $0.0e+00;
	v9 =	vimm.f32 $0.0e+00;
	v14 =	vld [tilespmem:s2+$0x50];
	v5 =	vadd.f32 v5, v6  }
0x3e: {  	s0 =	simm.s32 $0x80;
	s1 =	simm.s32 $0x400;
	v17 =	vld [tilespmem:s2+$0x60];
	v10 =	vadd.f32 v7, v6;
	v8 =	vadd.f32 v8, v6;
	v7 =	vimm.f32 $0.0e+00  }
.LBB2_2:
0x3f: {  	p2 =	sne.s32 s1, $0x1E00;
	v18 =	vld [tilespmem:s0+$0x70];
	v6 =	vadd.f32 v16, v6  }
0x40: {  	v19 =	vld [tilespmem:s0+$0x0];
	v11 =	vadd.f32 v15, v11  }
0x41: {  	v20 =	vld [tilespmem:s0+$0x10];
	v13 =	vadd.f32 v12, v13  }
.Ltmp2:
0x42: {  	v16 =	vld [tilespmem:s0+$0x20];
	v9 =	vadd.f32 v14, v9;
	(pc) =	sbr.rel @p2 .LBB2_2-.Ltmp2, $4  }
0x43: {  	v15 =	vld [tilespmem:s0+$0x30];
	v7 =	vadd.f32 v17, v7  }
0x44: {  	v12 =	vld [tilespmem:s0+$0x40];
	v5 =	vadd.f32 v18, v5  }
0x45: {  	v10 =	vadd.f32 v19, v10;
	v14 =	vld [tilespmem:s0+$0x50]  }
0x46: {  	v8 =	vadd.f32 v20, v8;
	v17 =	vld [tilespmem:s0+$0x60];
	s0 =	sshra.s32 s1, $0x2;
	s1 =	sadd.s32 $0x200, s1  }
0x47: {  	v19 =	vld [tilespmem:s0+$0x0]  }
0x48: {  	v20 =	vld [tilespmem:s0+$0x10]  }
0x49: {  	v21 =	vld [tilespmem:s0+$0x20]  }
0x4a: {  	v22 =	vld [tilespmem:s0+$0x30]  }
0x4b: {  	v23 =	vld [tilespmem:s0+$0x40]  }
0x4c: {  	v18 =	vld [tilespmem:s0+$0x70];
	v6 =	vadd.f32 v16, v6;
	v10 =	vadd.f32 v19, v10  }
0x4d: {  	v61 =	vld [tilespmem:s0+$0x60];
	v11 =	vadd.f32 v15, v11;
	v8 =	vadd.f32 v20, v8  }
0x4e: {  	v60 =	vld [tilespmem:s0+$0x50];
	v12 =	vadd.f32 v12, v13;
	v6 =	vadd.f32 v21, v6;
	[tilespmem:$0x880] =	vst v10  }
0x4f: {  	v62 =	vadd.f32 v22, v11;
	[tilespmem:$0x890] =	vst v8  }
0x50: {  	v7 =	vadd.f32 v17, v7;
	v63 =	vadd.f32 v23, v12;
	[tilespmem:$0x8A0] =	vst v6  }
0x51: {  	v9 =	vadd.f32 v14, v9;
	v5 =	vadd.f32 v18, v5;
	[tilespmem:$0x8B0] =	vst v62  }
0x52: {  	v7 =	vadd.f32 v61, v7;
	[tilespmem:$0x8C0] =	vst v63  }
0x53: {  	v6 =	vadd.f32 v60, v9;
	[tilespmem:$0x8F0] =	vst v5  }
0x54: {  	[tilespmem:$0x8E0] =	vst v7  }
0x55: {  	[tilespmem:$0x8D0] =	vst v6  }
0x56: {  	[spmem:s10] =	stream.linear.scatter [tilespmem:s24], [sflag:$0x2], $0x80, $0x38;
	[tilespmem:$0x3280] =	vst v63  }
.Ltmp3:
0x57: {  	_ =	swait.ge [sflag:s25], $0x80;
	(pc) =	sbr.rel @p1 .LBB2_14-.Ltmp3, $3  }
0x58: {  	[sflag:s25] =	ssyncset.done $0x0  }
0x59: {  	[sflag:s25] =	ssyncadd.s32 $0xFFFFFF80  }
0x5a: {  	[bflag:$0x0] =	sbarrier.arrive $0xFFFF;
	_ =	sdelay $0x1  }
0x5b: {  	s0 =	rddreg [dreg:$0x8];
	s1 =	simm.s32 $0x900  }
0x5c: {  	[tilespmem:s1], [sflag:$0x2] =	stream.linear.gather [spmem:s0], $0x800, $0x38;
	[tilespmem:$0x3280] =	vst v63  }
0x5d: {  	_ =	swait.ge [sflag:s25], $0x800  }
0x5e: {  	[sflag:s25] =	ssyncset.done $0x0  }
0x5f: {  	[sflag:s25] =	ssyncadd.s32 $0xFFFFF800  }
0x60: {  	s28 =	simm.s32 $0x0;
	s2 =	simm.s32 $0x1100;
	s30 =	rddreg [dreg:$0x3]  }
0x61: {  	[tilespmem:s2], [sflag:$0x2] =	stream.linear.gather [hbm4b:s30+s28], $0x80, $0x38;
	[tilespmem:$0x3280] =	vst v63  }
0x62: {  	_ =	swait.ge [sflag:s25], $0x80  }
0x63: {  	[sflag:s25] =	ssyncset.done $0x0  }
0x64: {  	s31 =	simm.s32 $0x0;
	[sflag:s25] =	ssyncadd.s32 $0xFFFFFF80  }
0x65: {  	v5 =	vld [tilespmem:s31+$0x970]  }
0x66: {  	v6 =	vld [tilespmem:s31+$0x900]  }
0x67: {  	v7 =	vld [tilespmem:s31+$0x910]  }
0x68: {  	v10 =	vld [tilespmem:s31+$0x920]  }
0x69: {  	v11 =	vld [tilespmem:s31+$0x930]  }
0x6a: {  	v8 =	vimm.f32 $0.0e+00;
	v9 =	vimm.f32 $0.0e+00;
	v12 =	vld [tilespmem:s31+$0x940]  }
0x6b: {  	v15 =	vimm.f32 $0.0e+00;
	v13 =	vimm.f32 $0.0e+00;
	v16 =	vld [tilespmem:s31+$0x950];
	v5 =	vadd.f32 v5, v8  }
0x6c: {  	v14 =	vimm.f32 $0.0e+00;
	s0 =	simm.s32 $0x80;
	s1 =	simm.s32 $0x400;
	v17 =	vld [tilespmem:s31+$0x960];
	v6 =	vadd.f32 v6, v8;
	v7 =	vadd.f32 v7, v8  }
.LBB2_5:
0x6d: {  	p2 =	sne.s32 s1, $0x1E00;
	v18 =	vld [tilespmem:s0+$0x970];
	v8 =	vadd.f32 v10, v8  }
0x6e: {  	v19 =	vld [tilespmem:s0+$0x900];
	v9 =	vadd.f32 v11, v9  }
0x6f: {  	v20 =	vld [tilespmem:s0+$0x910];
	v15 =	vadd.f32 v12, v15  }
.Ltmp4:
0x70: {  	v10 =	vld [tilespmem:s0+$0x920];
	v13 =	vadd.f32 v16, v13;
	(pc) =	sbr.rel @p2 .LBB2_5-.Ltmp4, $4  }
0x71: {  	v11 =	vld [tilespmem:s0+$0x930];
	v14 =	vadd.f32 v17, v14  }
0x72: {  	v12 =	vld [tilespmem:s0+$0x940];
	v5 =	vadd.f32 v18, v5  }
0x73: {  	v6 =	vadd.f32 v19, v6;
	v16 =	vld [tilespmem:s0+$0x950]  }
0x74: {  	v7 =	vadd.f32 v20, v7;
	v17 =	vld [tilespmem:s0+$0x960];
	s0 =	sshra.s32 s1, $0x2;
	s1 =	sadd.s32 $0x200, s1  }
0x75: {  	v18 =	vld [tilespmem:s0+$0x970]  }
0x76: {  	v19 =	vld [tilespmem:s0+$0x900]  }
0x77: {  	v20 =	vld [tilespmem:s0+$0x910]  }
0x78: {  	v21 =	vld [tilespmem:s0+$0x920]  }
0x79: {  	v22 =	vld [tilespmem:s0+$0x930]  }
0x7a: {  	v23 =	vld [tilespmem:s0+$0x940]  }
0x7b: {  	v8 =	vadd.f32 v10, v8;
	v60 =	vld [tilespmem:s0+$0x950]  }
0x7c: {  	v62 =	vld [tilespmem:s0+$0x960];
	v9 =	vadd.f32 v11, v9;
	v61 =	vadd.f32 v12, v15  }
0x7d: {  	v13 =	vadd.f32 v16, v13;
	v14 =	vadd.f32 v17, v14  }
0x7e: {  	v5 =	vadd.f32 v18, v5;
	v6 =	vadd.f32 v19, v6  }
0x7f: {  	v7 =	vadd.f32 v20, v7;
	v8 =	vadd.f32 v21, v8  }
0x80: {  	v11 =	vadd.f32 v23, v61;
	v10 =	vadd.f32 v60, v13  }
0x81: {  	v9 =	vadd.f32 v22, v9;
	v12 =	vadd.f32 v62, v14  }
0x82: {  	v6 =	vadd.f32 v11, v6;
	v7 =	vadd.f32 v10, v7  }
0x83: {  	v5 =	vadd.f32 v5, v9;
	v8 =	vadd.f32 v12, v8;
	_ =	sdelay $0x1  }
0x84: {  	v5 =	vadd.f32 v5, v7;
	v6 =	vadd.f32 v8, v6;
	_ =	sdelay $0x1  }
0x85: {  	v5 =	vadd.f32 v5, v6  }
0x86: {  	v6 =	vld [tilespmem:$0x1100]  }
0x87: {  	v5 =	vtrunc.f32 v5  }
0x88: {  	v5 =	vcvt.f32.s32 v5;
	_ =	sdelay $0x1  }
0x89: {  	vm1 =	veq.s32 v5, $0x0;
	v7 =	vadd.s32 $0xFFFFFFFF, v5  }
0x8a: {  	v7 =	vsel vm1, $0x800, v7;
	vm1 =	veq.s32 v6, $0x0  }
0x8b: {  	v5 =	vsel vm1, v5, v7  }
0x8c: {  	v6 =	vadd.s32 $0xFFFFFFFF, v5  }
0x8d: {  	vm1 =	vgt.s32 v6, $0x0  }
0x8e: {  	v6 =	vnsel vm1, $0x0, v6  }
0x8f: {  	v6 =	vshll.u32 v6, $0x4  }
0x90: {  	v6 =	vor.u32 v0, v6  }
0x91: {  	v7 =	vshll.u32 v6, $0x2  }
.Ltmp5:
0x92: {  	v7 =	vand.u32 $0xFFFFFFE0, v7;
	(pc) =	sbr.rel @!p0 .LBB2_7-.Ltmp5, $3  }
0x93: {  	v7 =	vor.u32 v2, v7  }
0x94: {  	v8 =	vperm.xlane v7, v2;
	v63 =	vperm.xlane v7, v4;
	_ =	sdelay $0x1  }
0x95: {  	s0 =	simm.s32 $0x0;
	[tilespmem:$0x1180] =	vst v6;
	v7 =	vadd.s32 v3, v8;
	v6 =	vadd.s32 v3, v63  }
0x96: {  	_ =	sdelay $0x2  }
0x97: {  	s1 =	rddreg [dreg:$0x1]  }
0x98: {  	[tilespmem:s29], [sflag:$0x1] =	stream.indirect_vreg.gather [hbm4b:s1+s0], $0x80, v7, vm0, $0xb8;
	[tilespmem:$0x3280] =	vst v63  }
0x99: {  	s2 =	simm.s32 $0x1A00  }
0x9a: {  	[tilespmem:s2], [sflag:$0x1] =	stream.indirect_vreg.gather [hbm4b:s12+s0], $0x80, v7, vm0, $0xb8;
	[tilespmem:$0x3280] =	vst v63  }
0x9b: {  	s7 =	simm.s32 $0x2200  }
0x9c: {  	[tilespmem:s7], [sflag:$0x1] =	stream.indirect_vreg.gather [hbm4b:s1+s0], $0x80, v6, vm0, $0xb8;
	[tilespmem:$0x3280] =	vst v63  }
0x9d: {  	v7 =	vadd.s32 s0, v0  }
0x9e: {  	[tilespmem:s5], [sflag:$0x1] =	stream.indirect_vreg.gather [hbm4b:s12+s0], $0x80, v6, vm0, $0xb8;
	v6 =	vperm.xlane v5, v7;
	[tilespmem:$0x3280] =	vst v63  }
0x9f: {  	_ =	swait.ge [sflag:s23], $0x2000  }
0xa0: {  	s8 =	simm.s32 $0x1;
	(v2sf) =	vpush v6, $0x0  }
0xa1: {  	v6 =	vadd.s32 s8, v0  }
0xa2: {  	v6 =	vperm.xlane v5, v6;
	_ =	sdelay $0x1  }
0xa3: {  	(v2sf) =	vpush v6, $0x0;
	_ =	sdelay $0xa  }
0xa4: {  	s31 =	simm.s32 $0x2;
	s26 =	spop (v2sf)  }
0xa5: {  	s2 =	simm.s32 $0x80;
	v6 =	vadd.s32 s31, v0;
	p3 =	sne.s32 s26, $0x0  }
0xa6: {  	[sflag:s23] =	ssyncset.done $0x0;
	v6 =	vperm.xlane v5, v6;
	s1 =	sand.u32 @!p3 $0x1000, s0;
	s0 =	sand.u32 @!p3 $0x380, s0  }
0xa7: {  	[sflag:s23] =	ssyncadd.s32 $0xFFFFE000;
	s26 =	simm.s32 @!p3 $0x0;
	s1 =	sor.u32 @!p3 s0, s1  }
0xa8: {  	(v2sf) =	vpush v6, $0x0;
	s30 =	spop (v2sf);
	s0 =	sadd.s32 @!p3 $0x1200, s1;
	s7 =	sadd.s32 @!p3 $0x1600, s1  }
0xa9: {  	[tilespmem:s0], [sflag:$0x2] =	stream.linear.gather @!p3 [hbm4b:s4+s26], $0x80, $0x38;
	[tilespmem:$0x3280] =	vst v63  }
0xaa: {  	s8 =	sadd.s32 @!p3 $0x1A00, s1;
	s28 =	sadd.s32 @!p3 $0x1E00, s1;
	s1 =	simm.s32 @!p3 $0x2  }
0xab: {  	[tilespmem:s7], [sflag:$0x2] =	stream.linear.gather @!p3 [hbm4b:s17+s26], $0x80, $0x38;
	[tilespmem:$0x3280] =	vst v63  }
0xac: {  	p2 =	sne.s32 s30, $0x0;
	s0 =	simm.s32 $0x3;
	s7 =	simm.s32 $0x200  }
0xad: {  	[tilespmem:s8], [sflag:$0x2] =	stream.linear.gather @!p3 [hbm4b:s18+s26], $0x80, $0x38;
	[tilespmem:$0x3280] =	vst v63  }
0xae: {  	s30 =	sand.u32 @!p2 $0x1000, s7;
	p3 =	por p3, p3;
	s8 =	sand.u32 @!p2 $0x380, s2  }
.LBB2_11:
0xaf: {  	v6 =	vadd.s32 s0, v0;
	[tilespmem:s28], [sflag:$0x2] =	stream.linear.gather @!p3 [hbm4b:s19+s26], $0x80, $0x38;
	[tilespmem:$0x3280] =	vst v63  }
0xb0: {  	s0 =	sadd.s32 $0x1, s0;
	s8 =	sor.u32 @!p2 s8, s30;
	v6 =	vperm.xlane v5, v6;
	_ =	swait.ge @!p3 [sflag:s1], $0x200  }
0xb1: {  	s26 =	simm.s32 @!p2 $0x0;
	s7 =	sadd.s32 $0x200, s7;
	[sflag:s1] =	ssyncset.done @!p3 $0x0  }
0xb2: {  	s28 =	sadd.s32 @!p2 $0x1200, s8;
	s30 =	sadd.s32 @!p2 $0x1600, s8;
	(v2sf) =	vpush v6, $0x0;
	[sflag:s1] =	ssyncadd.s32 @!p3 $0xFFFFFE00  }
0xb3: {  	[tilespmem:s28], [sflag:$0x2] =	stream.linear.gather @!p2 [hbm4b:s4+s26], $0x80, $0x38;
	[tilespmem:$0x3280] =	vst v63  }
0xb4: {  	s31 =	sadd.s32 @!p2 $0x1A00, s8;
	p4 =	sne.s32 s0, $0x10;
	s28 =	sadd.s32 @!p2 $0x1E00, s8  }
0xb5: {  	[tilespmem:s30], [sflag:$0x2] =	stream.linear.gather @!p2 [hbm4b:s17+s26], $0x80, $0x38;
	[tilespmem:$0x3280] =	vst v63  }
.Ltmp6:
0xb6: {  	_ = 	snop;
	(pc) =	sbr.rel @p4 .LBB2_11-.Ltmp6, $4  }
0xb7: {  	s2 =	sadd.s32 $0x80, s2;
	s1 =	simm.s32 @!p2 $0x2;
	s8 =	spop (v2sf)  }
0xb8: {  	[tilespmem:s31], [sflag:$0x2] =	stream.linear.gather @!p2 [hbm4b:s18+s26], $0x80, $0x38;
	[tilespmem:$0x3280] =	vst v63  }
0xb9: {  	p3 =	por p2, p2;
	p2 =	sne.s32 s8, $0x0  }
0xba: {  	s30 =	sand.u32 @!p2 $0x1000, s7;
	s8 =	sand.u32 @!p2 $0x380, s2  }
0xbb: {  	[tilespmem:s28], [sflag:$0x2] =	stream.linear.gather @!p3 [hbm4b:s19+s26], $0x80, $0x38;
	[tilespmem:$0x3280] =	vst v63  }
0xbc: {  	_ =	swait.ge @!p3 [sflag:s1], $0x200  }
0xbd: {  	s0 =	sor.u32 @!p2 s8, s30;
	[sflag:s1] =	ssyncset.done @!p3 $0x0  }
0xbe: {  	s8 =	simm.s32 @!p2 $0x0;
	s26 =	sadd.s32 @!p2 $0x1200, s0;
	[sflag:s1] =	ssyncadd.s32 @!p3 $0xFFFFFE00  }
0xbf: {  	[tilespmem:s26], [sflag:$0x2] =	stream.linear.gather @!p2 [hbm4b:s4+s8], $0x80, $0x38;
	[tilespmem:$0x3280] =	vst v63  }
0xc0: {  	s28 =	simm.s32 @!p2 $0x2;
	s2 =	sadd.s32 $0x80, s2;
	s1 =	sadd.s32 @!p2 $0x1600, s0  }
0xc1: {  	[tilespmem:s1], [sflag:$0x2] =	stream.linear.gather @!p2 [hbm4b:s17+s8], $0x80, $0x38;
	[tilespmem:$0x3280] =	vst v63  }
0xc2: {  	s26 =	sadd.s32 @!p2 $0x1A00, s0;
	s0 =	sadd.s32 @!p2 $0x1E00, s0;
	s31 =	spop (v2sf)  }
0xc3: {  	[tilespmem:s26], [sflag:$0x2] =	stream.linear.gather @!p2 [hbm4b:s18+s8], $0x80, $0x38;
	[tilespmem:$0x3280] =	vst v63  }
0xc4: {  	s1 =	sadd.s32 $0x200, s7;
	p3 =	sne.s32 s31, $0x0;
	p2 =	por p2, p2  }
0xc5: {  	[tilespmem:s0], [sflag:$0x2] =	stream.linear.gather @!p2 [hbm4b:s19+s8], $0x80, $0x38;
	[tilespmem:$0x3280] =	vst v63  }
0xc6: {  	s0 =	sand.u32 @!p3 $0x1000, s1;
	s1 =	sand.u32 @!p3 $0x380, s2;
	_ =	swait.ge @!p2 [sflag:s28], $0x200  }
0xc7: {  	s0 =	sor.u32 @!p3 s1, s0;
	[sflag:s28] =	ssyncset.done @!p2 $0x0  }
0xc8: {  	s1 =	simm.s32 @!p3 $0x0;
	s2 =	sadd.s32 @!p3 $0x1200, s0;
	[sflag:s28] =	ssyncadd.s32 @!p2 $0xFFFFFE00  }
0xc9: {  	[tilespmem:s2], [sflag:$0x2] =	stream.linear.gather @!p3 [hbm4b:s4+s1], $0x80, $0x38;
	[tilespmem:$0x3280] =	vst v63  }
0xca: {  	s2 =	sadd.s32 @!p3 $0x1600, s0  }
0xcb: {  	[tilespmem:s2], [sflag:$0x2] =	stream.linear.gather @!p3 [hbm4b:s17+s1], $0x80, $0x38;
	[tilespmem:$0x3280] =	vst v63  }
0xcc: {  	s2 =	sadd.s32 @!p3 $0x1A00, s0  }
0xcd: {  	[tilespmem:s2], [sflag:$0x2] =	stream.linear.gather @!p3 [hbm4b:s18+s1], $0x80, $0x38;
	[tilespmem:$0x3280] =	vst v63  }
0xce: {  	p2 =	por p3, p3;
	s0 =	sadd.s32 @!p3 $0x1E00, s0  }
0xcf: {  	[tilespmem:s0], [sflag:$0x2] =	stream.linear.gather @!p2 [hbm4b:s19+s1], $0x80, $0x38;
	[tilespmem:$0x3280] =	vst v63  }
.Ltmp7:
0xd0: {  	s2 =	simm.s32 @!p3 $0x2;
	(pc) =	sbr.rel .LBB2_13-.Ltmp7, $4  }
0xd1: {  	_ =	swait.ge @!p2 [sflag:s2], $0x200  }
0xd2: {  	[sflag:s2] =	ssyncset.done @!p2 $0x0  }
0xd3: {  	[sflag:s2] =	ssyncadd.s32 @!p2 $0xFFFFFE00  }
0xd4: {  	s0 =	rddreg [dreg:$0x7]  }
.LBB2_7:
0xd5: {  	_ =	sdelay $0x2  }
0xd6: {  	s1 =	rddreg [dreg:$0x0]  }
0xd7: {  	[tilespmem:s29], [sflag:$0x1] =	stream.indirect_vreg.gather [hbm4b:s1+s0], $0x80, v7, vm0, $0xb8;
	[tilespmem:$0x3280] =	vst v63  }
0xd8: {  	s2 =	simm.s32 $0x1A00  }
0xd9: {  	[tilespmem:s2], [sflag:$0x1] =	stream.indirect_vreg.gather [hbm4b:s11+s0], $0x80, v7, vm0, $0xb8;
	[tilespmem:$0x3280] =	vst v63  }
0xda: {  	s7 =	simm.s32 $0x2200  }
0xdb: {  	[tilespmem:s7], [sflag:$0x1] =	stream.indirect_vreg.gather [hbm4b:s1+s0], $0x80, v6, vm0, $0xb8;
	[tilespmem:$0x3280] =	vst v63  }
0xdc: {  	v7 =	vadd.s32 s0, v0  }
0xdd: {  	[tilespmem:s5], [sflag:$0x1] =	stream.indirect_vreg.gather [hbm4b:s11+s0], $0x80, v6, vm0, $0xb8;
	v6 =	vperm.xlane v5, v7;
	[tilespmem:$0x3280] =	vst v63  }
0xde: {  	_ =	swait.ge [sflag:s23], $0x2000  }
0xdf: {  	s8 =	simm.s32 $0x1;
	(v2sf) =	vpush v6, $0x0  }
0xe0: {  	v6 =	vadd.s32 s8, v0  }
0xe1: {  	v6 =	vperm.xlane v5, v6;
	_ =	sdelay $0x1  }
0xe2: {  	(v2sf) =	vpush v6, $0x0;
	_ =	sdelay $0xa  }
0xe3: {  	s31 =	simm.s32 $0x2;
	s26 =	spop (v2sf)  }
0xe4: {  	s2 =	simm.s32 $0x80;
	v6 =	vadd.s32 s31, v0;
	p3 =	sne.s32 s26, $0x0  }
0xe5: {  	[sflag:s23] =	ssyncset.done $0x0;
	v6 =	vperm.xlane v5, v6;
	s1 =	sand.u32 @!p3 $0x1000, s0;
	s0 =	sand.u32 @!p3 $0x380, s0  }
0xe6: {  	[sflag:s23] =	ssyncadd.s32 $0xFFFFE000;
	s26 =	simm.s32 @!p3 $0x0;
	s1 =	sor.u32 @!p3 s0, s1  }
0xe7: {  	(v2sf) =	vpush v6, $0x0;
	s30 =	spop (v2sf);
	s0 =	sadd.s32 @!p3 $0x1200, s1;
	s7 =	sadd.s32 @!p3 $0x1600, s1  }
0xe8: {  	[tilespmem:s0], [sflag:$0x2] =	stream.linear.gather @!p3 [hbm4b:s3+s26], $0x80, $0x38;
	[tilespmem:$0x3280] =	vst v63  }
0xe9: {  	s8 =	sadd.s32 @!p3 $0x1A00, s1;
	s28 =	sadd.s32 @!p3 $0x1E00, s1;
	s1 =	simm.s32 @!p3 $0x2  }
0xea: {  	[tilespmem:s7], [sflag:$0x2] =	stream.linear.gather @!p3 [hbm4b:s14+s26], $0x80, $0x38;
	[tilespmem:$0x3280] =	vst v63  }
0xeb: {  	p2 =	sne.s32 s30, $0x0;
	s0 =	simm.s32 $0x3;
	s7 =	simm.s32 $0x200  }
0xec: {  	[tilespmem:s8], [sflag:$0x2] =	stream.linear.gather @!p3 [hbm4b:s15+s26], $0x80, $0x38;
	[tilespmem:$0x3280] =	vst v63  }
0xed: {  	s30 =	sand.u32 @!p2 $0x1000, s7;
	p3 =	por p3, p3;
	s8 =	sand.u32 @!p2 $0x380, s2  }
.LBB2_8:
0xee: {  	v6 =	vadd.s32 s0, v0;
	[tilespmem:s28], [sflag:$0x2] =	stream.linear.gather @!p3 [hbm4b:s16+s26], $0x80, $0x38;
	[tilespmem:$0x3280] =	vst v63  }
0xef: {  	s0 =	sadd.s32 $0x1, s0;
	s8 =	sor.u32 @!p2 s8, s30;
	v6 =	vperm.xlane v5, v6;
	_ =	swait.ge @!p3 [sflag:s1], $0x200  }
0xf0: {  	s26 =	simm.s32 @!p2 $0x0;
	s7 =	sadd.s32 $0x200, s7;
	[sflag:s1] =	ssyncset.done @!p3 $0x0  }
0xf1: {  	s28 =	sadd.s32 @!p2 $0x1200, s8;
	s30 =	sadd.s32 @!p2 $0x1600, s8;
	(v2sf) =	vpush v6, $0x0;
	[sflag:s1] =	ssyncadd.s32 @!p3 $0xFFFFFE00  }
0xf2: {  	[tilespmem:s28], [sflag:$0x2] =	stream.linear.gather @!p2 [hbm4b:s3+s26], $0x80, $0x38;
	[tilespmem:$0x3280] =	vst v63  }
0xf3: {  	s31 =	sadd.s32 @!p2 $0x1A00, s8;
	p4 =	seq.s32 s0, $0x10;
	s28 =	sadd.s32 @!p2 $0x1E00, s8  }
0xf4: {  	[tilespmem:s30], [sflag:$0x2] =	stream.linear.gather @!p2 [hbm4b:s14+s26], $0x80, $0x38;
	[tilespmem:$0x3280] =	vst v63  }
.Ltmp8:
0xf5: {  	_ = 	snop;
	(pc) =	sbr.rel @!p4 .LBB2_8-.Ltmp8, $4  }
0xf6: {  	s2 =	sadd.s32 $0x80, s2;
	s1 =	simm.s32 @!p2 $0x2;
	s8 =	spop (v2sf)  }
0xf7: {  	[tilespmem:s31], [sflag:$0x2] =	stream.linear.gather @!p2 [hbm4b:s15+s26], $0x80, $0x38;
	[tilespmem:$0x3280] =	vst v63  }
0xf8: {  	p3 =	por p2, p2;
	p2 =	sne.s32 s8, $0x0  }
0xf9: {  	s30 =	sand.u32 @!p2 $0x1000, s7;
	s8 =	sand.u32 @!p2 $0x380, s2  }
.Ltmp9:
0xfa: {  	_ = 	snop;
	(pc) =	sbr.rel .LBB2_9-.Ltmp9, $1  }
0xfb: {  	_ =	sdelay $0x3  }
.LBB2_15:
0xfc: {  	_ =	sfence.sel $0x180000  }
0xfd: {  	[bflag:$0x0] =	sbarrier.arrive $0xFFFF  }
0xfe: {  	_ =	strace $0x90000047  }
0xff: {  	[bflag:$0x2] =	sbarrier.arrive $0xFFFF  }
0x100: {  	s0 =	rddreg [dreg:$0x9]  }
0x101: {  	s0 =	sadd.s32 @!p1 $0x100000, s0  }
0x102: {  	[sflag:s0] =	ssyncadd.tile.s32 @!p1 $0x1;
	_ =	shalt  }
.Lfunc_end2:
_tile_overlayer_lowered:
.L_overlay_start_2:
0x103: {  	(tag) =	ssettag $0x2  }
0x104: {  	s0 =	rddreg [dreg:$0x0];
	s2 =	stileid.u32  }
0x105: {  	s1 =	rddreg [dreg:$0x1];
	p0 =	sne.s32 s2, $0x0  }
0x106: {  	s3 =	rddreg [dreg:$0x2];
	[bflag:$0x3] =	sbarrier.arrive $0xFFFF;
	s2 =	simm.s32 @!p0 $0x1C02  }
0x107: {  	[timem:s3], [sflag:s2] =	dma.local @!p0 [hbm:s0], s1  }
0x108: {  	s0 =	simm.s32 @!p0 $0x2  }
0x109: {  	_ =	swait.ge @!p0 [sflag:s0], s1  }
0x10a: {  	s1 =	ssub.s32 @!p0 $0x0, s1;
	[sflag:s0] =	ssyncset.done @!p0 $0x0  }
0x10b: {  	[sflag:s0] =	ssyncadd.s32 @!p0 s1  }
0x10c: {  	[bflag:$0x3] =	sbarrier.arrive $0xFFFF  }
0x10d: {  	_ =	shalt  }

</sc_bundles>
